<compile_context>
chip_gen: v7x
topology: tpu7x:2x2x1
jax: 0.10.2.dev20260603
libtpu: 0.0.44.dev20260713+nightly
codegen_flags: <defaults>
</compile_context>

<pallas_src>
import jax
import jax.numpy as jnp
from jax import lax
from jax.experimental import pallas as pl
from jax.experimental.pallas import tpu as pltpu
from jax.experimental.pallas import tpu_sc as plsc

BATCH = 16384
NF = 26
EMB = 16

CHUNK_B = 1024
NCH = BATCH // CHUNK_B
GSUB = 128
NG = CHUNK_B // GSUB
TB = CHUNK_B // 128


def _body(idxT_hbm, table_hbm, out_hbm, idx_v, rows0, rows1, gsem, wsem):
    wid = lax.axis_index("s") * 2 + lax.axis_index("c")

    def fire_gathers(c, rows_v):
        for g in range(NG):
            pltpu.async_copy(
                table_hbm.at[idx_v.at[pl.ds(c * CHUNK_B + g * GSUB, GSUB)]],
                rows_v.at[g],
                gsem,
            )

    def wait_gathers(rows_v):
        for g in range(NG):
            pltpu.make_async_copy(
                table_hbm.at[idx_v.at[pl.ds(0, GSUB)]],
                rows_v.at[g],
                gsem,
            ).wait()

    def fire_writes(c, rows_v):
        for g in range(NG):
            pltpu.async_copy(
                rows_v.at[g],
                out_hbm.at[wid, pl.ds(c * CHUNK_B + g * GSUB, GSUB)],
                wsem,
            )

    def wait_writes():
        for g in range(NG):
            pltpu.make_async_copy(
                rows0.at[0],
                out_hbm.at[0, pl.ds(0, GSUB)],
                wsem,
            ).wait()

    @pl.when(wid < NF)
    def _():
        pltpu.sync_copy(idxT_hbm.at[wid], idx_v)
        fire_gathers(0, rows0)

        def dstep(k, carry):
            c0 = 2 * k
            c1 = 2 * k + 1

            wait_gathers(rows0)
            fire_writes(c0, rows0)

            @pl.when(k >= 1)
            def _():
                wait_writes()

            fire_gathers(c1, rows1)

            wait_gathers(rows1)
            fire_writes(c1, rows1)
            wait_writes()

            @pl.when(c1 + 1 < NCH)
            def _():
                fire_gathers(c1 + 1, rows0)

            return carry

        lax.fori_loop(0, NCH // 2, dstep, 0)
        wait_writes()


def _build():
    mesh = plsc.VectorSubcoreMesh(core_axis_name="c", subcore_axis_name="s")
    return pl.kernel(
        _body,
        out_type=jax.ShapeDtypeStruct((NF, BATCH, EMB), jnp.float32),
        mesh=mesh,
        scratch_types=[
            pltpu.VMEM((BATCH,), jnp.int32),
            pltpu.VMEM((TB, GSUB, EMB), jnp.float32),
            pltpu.VMEM((TB, GSUB, EMB), jnp.float32),
            pltpu.SemaphoreType.DMA,
            pltpu.SemaphoreType.DMA,
        ],
        compiler_params=pltpu.CompilerParams(use_tc_tiling_on_sc=False),
    )


def kernel(move_name, move_embed_weight):
    idxT = move_name.T
    L = _build()(idxT, move_embed_weight)
    return L.transpose((1, 0, 2))

# --- scband reference (transcript-rebuilt; emitter-appended) ---
"""Pipeline reference for scband-move-embedding-1975684956532 (READ-ONLY COPY).

The authoritative reference and input builder live on the scoring server;
editing this copy changes nothing except your own understanding.
"""

import jax, jax.numpy as jnp
import numpy as np

VOCAB_SIZE = 1000000
EMBEDDING_DIM = 16
BATCH = 16384
N_FIELDS = 26


def setup_inputs(seed: int = 0) -> dict:
    key = jax.random.key(seed)
    k_idx, k_tab = jax.random.split(key)
    move_name = jax.random.randint(k_idx, (BATCH, N_FIELDS), 0, VOCAB_SIZE, dtype=jnp.int64 if jax.config.jax_enable_x64 else jnp.int32)
    move_embed_weight = jax.random.normal(k_tab, (VOCAB_SIZE, EMBEDDING_DIM), dtype=jnp.float32) * 0.02
    return {"move_name": move_name, "move_embed_weight": move_embed_weight}


def reference(move_name, move_embed_weight):
    # nn.Embedding lookup: gather rows of the embedding table by index.
    return jnp.take(move_embed_weight, move_name, axis=0)

if __name__ == "__main__":
    import jax
    _d = setup_inputs()
    print(jax.jit(kernel)(*tuple(_d.values())))

</pallas_src>

<mosaic_0001>
#map = affine_map<(d0, d1) -> (0, 0)>
#map1 = affine_map<(d0, d1) -> (0, 0, 0)>
module attributes {stable_mosaic.version = 14 : i64} {
  func.func @_body(%arg0: i32, %arg1: i32, %arg2: memref<26x16384xi32, #tpu.memory_space<hbm>>, %arg3: memref<1000000x16xf32, #tpu.memory_space<hbm>>, %arg4: memref<26x16384x16xf32, #tpu.memory_space<hbm>>, %arg5: memref<16384xi32, #tpu.memory_space<vmem>>, %arg6: memref<8x128x16xf32, #tpu.memory_space<vmem>>, %arg7: memref<8x128x16xf32, #tpu.memory_space<vmem>>, %arg8: memref<!tpu.dma_semaphore, #tpu.memory_space<semaphore_mem>>, %arg9: memref<!tpu.dma_semaphore, #tpu.memory_space<semaphore_mem>>) attributes {dimension_semantics = [#tpu.dimension_semantics<core_parallel>, #tpu.dimension_semantics<subcore_parallel>], iteration_bounds = array<i64: 2, 16>, scalar_prefetch = 0 : i64, scratch_operands = 5 : i64, tpu.core_type = #tpu.core_type<sc_vector_subcore>, window_params = [{transform_indices = #map}, {transform_indices = #map}, {transform_indices = #map1}]} {
    %mul3A = arith.constant 2 : i32
    %mul3A_0 = arith.muli %arg1, %mul3A : i32
    %add3A = arith.addi %mul3A_0, %arg0 : i32
    %lt3A = arith.constant 26 : i32
    %lt3A_1 = arith.cmpi slt, %add3A, %lt3A : i32
    %convert_element_type3A = arith.extui %lt3A_1 : i1 to i32
    %cond3A = arith.constant 0 : i32
    %cond3A_2 = arith.cmpi ne, %convert_element_type3A, %cond3A : i32
    scf.if %cond3A_2 {
      "tpu.region"() ({
        %run_scoped3A = tpu.sem_alloc : memref<!tpu.dma_semaphore, #tpu.memory_space<semaphore_mem>>
        %dma_start3A_230 = arith.constant 0 : i32
        %dma_start3A_231 = tpu.memref_slice %arg2[%add3A, %dma_start3A_230] : memref<26x16384xi32, #tpu.memory_space<hbm>> -> memref<1x16384xi32, #tpu.memory_space<hbm>>
        %dma_start3A_232 = tpu.memref_squeeze %dma_start3A_231 : memref<1x16384xi32, #tpu.memory_space<hbm>> -> memref<16384xi32, #tpu.memory_space<hbm>>
        %dma_start3A_233 = arith.constant 0 : i32
        %dma_start3A_234 = tpu.memref_slice %arg2[%add3A, %dma_start3A_233] : memref<26x16384xi32, #tpu.memory_space<hbm>> -> memref<1x16384xi32, #tpu.memory_space<hbm>>
        %dma_start3A_235 = tpu.memref_squeeze %dma_start3A_234 : memref<1x16384xi32, #tpu.memory_space<hbm>> -> memref<16384xi32, #tpu.memory_space<hbm>>
        tpu.enqueue_dma source(%dma_start3A_235 : memref<16384xi32, #tpu.memory_space<hbm>>) target(%arg5 : memref<16384xi32, #tpu.memory_space<vmem>>) target_semaphore(%run_scoped3A : memref<!tpu.dma_semaphore, #tpu.memory_space<semaphore_mem>>)
        %dma_wait3A_236 = arith.constant 0 : i32
        %dma_wait3A_237 = tpu.memref_slice %arg2[%add3A, %dma_wait3A_236] : memref<26x16384xi32, #tpu.memory_space<hbm>> -> memref<1x16384xi32, #tpu.memory_space<hbm>>
        %dma_wait3A_238 = tpu.memref_squeeze %dma_wait3A_237 : memref<1x16384xi32, #tpu.memory_space<hbm>> -> memref<16384xi32, #tpu.memory_space<hbm>>
        %dma_wait3A_239 = arith.constant 0 : i32
        %dma_wait3A_240 = tpu.memref_slice %arg2[%add3A, %dma_wait3A_239] : memref<26x16384xi32, #tpu.memory_space<hbm>> -> memref<1x16384xi32, #tpu.memory_space<hbm>>
        %dma_wait3A_241 = tpu.memref_squeeze %dma_wait3A_240 : memref<1x16384xi32, #tpu.memory_space<hbm>> -> memref<16384xi32, #tpu.memory_space<hbm>>
        tpu.wait_dma2 semaphore(%run_scoped3A : memref<!tpu.dma_semaphore, #tpu.memory_space<semaphore_mem>>) src(%dma_wait3A_241 : memref<16384xi32, #tpu.memory_space<hbm>>) dst(%arg5 : memref<16384xi32, #tpu.memory_space<vmem>>)
        tpu.yield
      }) : () -> ()
      %dma_start3A = arith.constant 0 : i32
      %dma_start3A_3 = arith.constant 0 : i32
      %dma_start3A_4 = arith.constant 0 : i32
      %dma_start3A_5 = tpu.memref_slice %arg6[%dma_start3A, %dma_start3A_3, %dma_start3A_4] : memref<8x128x16xf32, #tpu.memory_space<vmem>> -> memref<1x128x16xf32, #tpu.memory_space<vmem>>
      %dma_start3A_6 = tpu.memref_squeeze %dma_start3A_5 : memref<1x128x16xf32, #tpu.memory_space<vmem>> -> memref<128x16xf32, #tpu.memory_space<vmem>>
      %dma_start3A_7 = arith.constant 0 : i32
      %dma_start3A_8 = tpu.memref_slice %arg5[%dma_start3A_7] : memref<16384xi32, #tpu.memory_space<vmem>> -> memref<128xi32, #tpu.memory_space<vmem>>
      %dma_start3A_9 = arith.constant 0 : i32
      %dma_start3A_10 = arith.constant 0 : i32
      %dma_start3A_11 = tpu.memref_slice %arg3[%dma_start3A_9, %dma_start3A_10] : memref<1000000x16xf32, #tpu.memory_space<hbm>> -> memref<1000000x16xf32, #tpu.memory_space<hbm>>
      tpu.enqueue_indirect_dma source(%dma_start3A_11 : memref<1000000x16xf32, #tpu.memory_space<hbm>>) target(%dma_start3A_6 : memref<128x16xf32, #tpu.memory_space<vmem>>) offsets(%dma_start3A_8 : memref<128xi32, #tpu.memory_space<vmem>>) semaphore(%arg8 : memref<!tpu.dma_semaphore, #tpu.memory_space<semaphore_mem>>)
      %dma_start3A_12 = arith.constant 1 : i32
      %dma_start3A_13 = arith.constant 0 : i32
      %dma_start3A_14 = arith.constant 0 : i32
      %dma_start3A_15 = tpu.memref_slice %arg6[%dma_start3A_12, %dma_start3A_13, %dma_start3A_14] : memref<8x128x16xf32, #tpu.memory_space<vmem>> -> memref<1x128x16xf32, #tpu.memory_space<vmem>>
      %dma_start3A_16 = tpu.memref_squeeze %dma_start3A_15 : memref<1x128x16xf32, #tpu.memory_space<vmem>> -> memref<128x16xf32, #tpu.memory_space<vmem>>
      %dma_start3A_17 = arith.constant 128 : i32
      %dma_start3A_18 = tpu.memref_slice %arg5[%dma_start3A_17] : memref<16384xi32, #tpu.memory_space<vmem>> -> memref<128xi32, #tpu.memory_space<vmem>>
      %dma_start3A_19 = arith.constant 0 : i32
      %dma_start3A_20 = arith.constant 0 : i32
      %dma_start3A_21 = tpu.memref_slice %arg3[%dma_start3A_19, %dma_start3A_20] : memref<1000000x16xf32, #tpu.memory_space<hbm>> -> memref<1000000x16xf32, #tpu.memory_space<hbm>>
      tpu.enqueue_indirect_dma source(%dma_start3A_21 : memref<1000000x16xf32, #tpu.memory_space<hbm>>) target(%dma_start3A_16 : memref<128x16xf32, #tpu.memory_space<vmem>>) offsets(%dma_start3A_18 : memref<128xi32, #tpu.memory_space<vmem>>) semaphore(%arg8 : memref<!tpu.dma_semaphore, #tpu.memory_space<semaphore_mem>>)
      %dma_start3A_22 = arith.constant 2 : i32
      %dma_start3A_23 = arith.constant 0 : i32
      %dma_start3A_24 = arith.constant 0 : i32
      %dma_start3A_25 = tpu.memref_slice %arg6[%dma_start3A_22, %dma_start3A_23, %dma_start3A_24] : memref<8x128x16xf32, #tpu.memory_space<vmem>> -> memref<1x128x16xf32, #tpu.memory_space<vmem>>
      %dma_start3A_26 = tpu.memref_squeeze %dma_start3A_25 : memref<1x128x16xf32, #tpu.memory_space<vmem>> -> memref<128x16xf32, #tpu.memory_space<vmem>>
      %dma_start3A_27 = arith.constant 256 : i32
      %dma_start3A_28 = tpu.memref_slice %arg5[%dma_start3A_27] : memref<16384xi32, #tpu.memory_space<vmem>> -> memref<128xi32, #tpu.memory_space<vmem>>
      %dma_start3A_29 = arith.constant 0 : i32
      %dma_start3A_30 = arith.constant 0 : i32
      %dma_start3A_31 = tpu.memref_slice %arg3[%dma_start3A_29, %dma_start3A_30] : memref<1000000x16xf32, #tpu.memory_space<hbm>> -> memref<1000000x16xf32, #tpu.memory_space<hbm>>
      tpu.enqueue_indirect_dma source(%dma_start3A_31 : memref<1000000x16xf32, #tpu.memory_space<hbm>>) target(%dma_start3A_26 : memref<128x16xf32, #tpu.memory_space<vmem>>) offsets(%dma_start3A_28 : memref<128xi32, #tpu.memory_space<vmem>>) semaphore(%arg8 : memref<!tpu.dma_semaphore, #tpu.memory_space<semaphore_mem>>)
      %dma_start3A_32 = arith.constant 3 : i32
      %dma_start3A_33 = arith.constant 0 : i32
      %dma_start3A_34 = arith.constant 0 : i32
      %dma_start3A_35 = tpu.memref_slice %arg6[%dma_start3A_32, %dma_start3A_33, %dma_start3A_34] : memref<8x128x16xf32, #tpu.memory_space<vmem>> -> memref<1x128x16xf32, #tpu.memory_space<vmem>>
      %dma_start3A_36 = tpu.memref_squeeze %dma_start3A_35 : memref<1x128x16xf32, #tpu.memory_space<vmem>> -> memref<128x16xf32, #tpu.memory_space<vmem>>
      %dma_start3A_37 = arith.constant 384 : i32
      %dma_start3A_38 = tpu.memref_slice %arg5[%dma_start3A_37] : memref<16384xi32, #tpu.memory_space<vmem>> -> memref<128xi32, #tpu.memory_space<vmem>>
      %dma_start3A_39 = arith.constant 0 : i32
      %dma_start3A_40 = arith.constant 0 : i32
      %dma_start3A_41 = tpu.memref_slice %arg3[%dma_start3A_39, %dma_start3A_40] : memref<1000000x16xf32, #tpu.memory_space<hbm>> -> memref<1000000x16xf32, #tpu.memory_space<hbm>>
      tpu.enqueue_indirect_dma source(%dma_start3A_41 : memref<1000000x16xf32, #tpu.memory_space<hbm>>) target(%dma_start3A_36 : memref<128x16xf32, #tpu.memory_space<vmem>>) offsets(%dma_start3A_38 : memref<128xi32, #tpu.memory_space<vmem>>) semaphore(%arg8 : memref<!tpu.dma_semaphore, #tpu.memory_space<semaphore_mem>>)
      %dma_start3A_42 = arith.constant 4 : i32
      %dma_start3A_43 = arith.constant 0 : i32
      %dma_start3A_44 = arith.constant 0 : i32
      %dma_start3A_45 = tpu.memref_slice %arg6[%dma_start3A_42, %dma_start3A_43, %dma_start3A_44] : memref<8x128x16xf32, #tpu.memory_space<vmem>> -> memref<1x128x16xf32, #tpu.memory_space<vmem>>
      %dma_start3A_46 = tpu.memref_squeeze %dma_start3A_45 : memref<1x128x16xf32, #tpu.memory_space<vmem>> -> memref<128x16xf32, #tpu.memory_space<vmem>>
      %dma_start3A_47 = arith.constant 512 : i32
      %dma_start3A_48 = tpu.memref_slice %arg5[%dma_start3A_47] : memref<16384xi32, #tpu.memory_space<vmem>> -> memref<128xi32, #tpu.memory_space<vmem>>
      %dma_start3A_49 = arith.constant 0 : i32
      %dma_start3A_50 = arith.constant 0 : i32
      %dma_start3A_51 = tpu.memref_slice %arg3[%dma_start3A_49, %dma_start3A_50] : memref<1000000x16xf32, #tpu.memory_space<hbm>> -> memref<1000000x16xf32, #tpu.memory_space<hbm>>
      tpu.enqueue_indirect_dma source(%dma_start3A_51 : memref<1000000x16xf32, #tpu.memory_space<hbm>>) target(%dma_start3A_46 : memref<128x16xf32, #tpu.memory_space<vmem>>) offsets(%dma_start3A_48 : memref<128xi32, #tpu.memory_space<vmem>>) semaphore(%arg8 : memref<!tpu.dma_semaphore, #tpu.memory_space<semaphore_mem>>)
      %dma_start3A_52 = arith.constant 5 : i32
      %dma_start3A_53 = arith.constant 0 : i32
      %dma_start3A_54 = arith.constant 0 : i32
      %dma_start3A_55 = tpu.memref_slice %arg6[%dma_start3A_52, %dma_start3A_53, %dma_start3A_54] : memref<8x128x16xf32, #tpu.memory_space<vmem>> -> memref<1x128x16xf32, #tpu.memory_space<vmem>>
      %dma_start3A_56 = tpu.memref_squeeze %dma_start3A_55 : memref<1x128x16xf32, #tpu.memory_space<vmem>> -> memref<128x16xf32, #tpu.memory_space<vmem>>
      %dma_start3A_57 = arith.constant 640 : i32
      %dma_start3A_58 = tpu.memref_slice %arg5[%dma_start3A_57] : memref<16384xi32, #tpu.memory_space<vmem>> -> memref<128xi32, #tpu.memory_space<vmem>>
      %dma_start3A_59 = arith.constant 0 : i32
      %dma_start3A_60 = arith.constant 0 : i32
      %dma_start3A_61 = tpu.memref_slice %arg3[%dma_start3A_59, %dma_start3A_60] : memref<1000000x16xf32, #tpu.memory_space<hbm>> -> memref<1000000x16xf32, #tpu.memory_space<hbm>>
      tpu.enqueue_indirect_dma source(%dma_start3A_61 : memref<1000000x16xf32, #tpu.memory_space<hbm>>) target(%dma_start3A_56 : memref<128x16xf32, #tpu.memory_space<vmem>>) offsets(%dma_start3A_58 : memref<128xi32, #tpu.memory_space<vmem>>) semaphore(%arg8 : memref<!tpu.dma_semaphore, #tpu.memory_space<semaphore_mem>>)
      %dma_start3A_62 = arith.constant 6 : i32
      %dma_start3A_63 = arith.constant 0 : i32
      %dma_start3A_64 = arith.constant 0 : i32
      %dma_start3A_65 = tpu.memref_slice %arg6[%dma_start3A_62, %dma_start3A_63, %dma_start3A_64] : memref<8x128x16xf32, #tpu.memory_space<vmem>> -> memref<1x128x16xf32, #tpu.memory_space<vmem>>
      %dma_start3A_66 = tpu.memref_squeeze %dma_start3A_65 : memref<1x128x16xf32, #tpu.memory_space<vmem>> -> memref<128x16xf32, #tpu.memory_space<vmem>>
      %dma_start3A_67 = arith.constant 768 : i32
      %dma_start3A_68 = tpu.memref_slice %arg5[%dma_start3A_67] : memref<16384xi32, #tpu.memory_space<vmem>> -> memref<128xi32, #tpu.memory_space<vmem>>
      %dma_start3A_69 = arith.constant 0 : i32
      %dma_start3A_70 = arith.constant 0 : i32
      %dma_start3A_71 = tpu.memref_slice %arg3[%dma_start3A_69, %dma_start3A_70] : memref<1000000x16xf32, #tpu.memory_space<hbm>> -> memref<1000000x16xf32, #tpu.memory_space<hbm>>
      tpu.enqueue_indirect_dma source(%dma_start3A_71 : memref<1000000x16xf32, #tpu.memory_space<hbm>>) target(%dma_start3A_66 : memref<128x16xf32, #tpu.memory_space<vmem>>) offsets(%dma_start3A_68 : memref<128xi32, #tpu.memory_space<vmem>>) semaphore(%arg8 : memref<!tpu.dma_semaphore, #tpu.memory_space<semaphore_mem>>)
      %dma_start3A_72 = arith.constant 7 : i32
      %dma_start3A_73 = arith.constant 0 : i32
      %dma_start3A_74 = arith.constant 0 : i32
      %dma_start3A_75 = tpu.memref_slice %arg6[%dma_start3A_72, %dma_start3A_73, %dma_start3A_74] : memref<8x128x16xf32, #tpu.memory_space<vmem>> -> memref<1x128x16xf32, #tpu.memory_space<vmem>>
      %dma_start3A_76 = tpu.memref_squeeze %dma_start3A_75 : memref<1x128x16xf32, #tpu.memory_space<vmem>> -> memref<128x16xf32, #tpu.memory_space<vmem>>
      %dma_start3A_77 = arith.constant 896 : i32
      %dma_start3A_78 = tpu.memref_slice %arg5[%dma_start3A_77] : memref<16384xi32, #tpu.memory_space<vmem>> -> memref<128xi32, #tpu.memory_space<vmem>>
      %dma_start3A_79 = arith.constant 0 : i32
      %dma_start3A_80 = arith.constant 0 : i32
      %dma_start3A_81 = tpu.memref_slice %arg3[%dma_start3A_79, %dma_start3A_80] : memref<1000000x16xf32, #tpu.memory_space<hbm>> -> memref<1000000x16xf32, #tpu.memory_space<hbm>>
      tpu.enqueue_indirect_dma source(%dma_start3A_81 : memref<1000000x16xf32, #tpu.memory_space<hbm>>) target(%dma_start3A_76 : memref<128x16xf32, #tpu.memory_space<vmem>>) offsets(%dma_start3A_78 : memref<128xi32, #tpu.memory_space<vmem>>) semaphore(%arg8 : memref<!tpu.dma_semaphore, #tpu.memory_space<semaphore_mem>>)
      %scan3A = arith.constant 0 : i32
      %scan3A_82 = arith.constant 0 : i32
      %scan3A_83 = arith.constant 8 : i32
      %scan3A_84 = arith.addi %scan3A_82, %scan3A_83 : i32
      %scan3A_85 = arith.constant 1 : i32
      scf.for %scan3A_230 = %scan3A_82 to %scan3A_84 step %scan3A_85  : i32 {
        %mul3A_231 = arith.constant 2 : i32
        %mul3A_232 = arith.muli %mul3A_231, %scan3A_230 : i32
        %mul3A_233 = arith.constant 2 : i32
        %mul3A_234 = arith.muli %mul3A_233, %scan3A_230 : i32
        %add3A_235 = arith.constant 1 : i32
        %add3A_236 = arith.addi %mul3A_234, %add3A_235 : i32
        %dma_wait3A_237 = arith.constant 0 : i32
        %dma_wait3A_238 = arith.constant 0 : i32
        %dma_wait3A_239 = arith.constant 0 : i32
        %dma_wait3A_240 = tpu.memref_slice %arg6[%dma_wait3A_237, %dma_wait3A_238, %dma_wait3A_239] : memref<8x128x16xf32, #tpu.memory_space<vmem>> -> memref<1x128x16xf32, #tpu.memory_space<vmem>>
        %dma_wait3A_241 = tpu.memref_squeeze %dma_wait3A_240 : memref<1x128x16xf32, #tpu.memory_space<vmem>> -> memref<128x16xf32, #tpu.memory_space<vmem>>
        %dma_wait3A_242 = arith.constant 0 : i32
        %dma_wait3A_243 = tpu.memref_slice %arg5[%dma_wait3A_242] : memref<16384xi32, #tpu.memory_space<vmem>> -> memref<128xi32, #tpu.memory_space<vmem>>
        %dma_wait3A_244 = arith.constant 0 : i32
        %dma_wait3A_245 = arith.constant 0 : i32
        %dma_wait3A_246 = tpu.memref_slice %arg3[%dma_wait3A_244, %dma_wait3A_245] : memref<1000000x16xf32, #tpu.memory_space<hbm>> -> memref<1000000x16xf32, #tpu.memory_space<hbm>>
        tpu.wait_indirect_dma semaphore(%arg8 : memref<!tpu.dma_semaphore, #tpu.memory_space<semaphore_mem>>) src(%dma_wait3A_246 : memref<1000000x16xf32, #tpu.memory_space<hbm>>) dst(%dma_wait3A_241 : memref<128x16xf32, #tpu.memory_space<vmem>>)
        %dma_wait3A_247 = arith.constant 1 : i32
        %dma_wait3A_248 = arith.constant 0 : i32
        %dma_wait3A_249 = arith.constant 0 : i32
        %dma_wait3A_250 = tpu.memref_slice %arg6[%dma_wait3A_247, %dma_wait3A_248, %dma_wait3A_249] : memref<8x128x16xf32, #tpu.memory_space<vmem>> -> memref<1x128x16xf32, #tpu.memory_space<vmem>>
        %dma_wait3A_251 = tpu.memref_squeeze %dma_wait3A_250 : memref<1x128x16xf32, #tpu.memory_space<vmem>> -> memref<128x16xf32, #tpu.memory_space<vmem>>
        %dma_wait3A_252 = arith.constant 0 : i32
        %dma_wait3A_253 = tpu.memref_slice %arg5[%dma_wait3A_252] : memref<16384xi32, #tpu.memory_space<vmem>> -> memref<128xi32, #tpu.memory_space<vmem>>
        %dma_wait3A_254 = arith.constant 0 : i32
        %dma_wait3A_255 = arith.constant 0 : i32
        %dma_wait3A_256 = tpu.memref_slice %arg3[%dma_wait3A_254, %dma_wait3A_255] : memref<1000000x16xf32, #tpu.memory_space<hbm>> -> memref<1000000x16xf32, #tpu.memory_space<hbm>>
        tpu.wait_indirect_dma semaphore(%arg8 : memref<!tpu.dma_semaphore, #tpu.memory_space<semaphore_mem>>) src(%dma_wait3A_256 : memref<1000000x16xf32, #tpu.memory_space<hbm>>) dst(%dma_wait3A_251 : memref<128x16xf32, #tpu.memory_space<vmem>>)
        %dma_wait3A_257 = arith.constant 2 : i32
        %dma_wait3A_258 = arith.constant 0 : i32
        %dma_wait3A_259 = arith.constant 0 : i32
        %dma_wait3A_260 = tpu.memref_slice %arg6[%dma_wait3A_257, %dma_wait3A_258, %dma_wait3A_259] : memref<8x128x16xf32, #tpu.memory_space<vmem>> -> memref<1x128x16xf32, #tpu.memory_space<vmem>>
        %dma_wait3A_261 = tpu.memref_squeeze %dma_wait3A_260 : memref<1x128x16xf32, #tpu.memory_space<vmem>> -> memref<128x16xf32, #tpu.memory_space<vmem>>
        %dma_wait3A_262 = arith.constant 0 : i32
        %dma_wait3A_263 = tpu.memref_slice %arg5[%dma_wait3A_262] : memref<16384xi32, #tpu.memory_space<vmem>> -> memref<128xi32, #tpu.memory_space<vmem>>
        %dma_wait3A_264 = arith.constant 0 : i32
        %dma_wait3A_265 = arith.constant 0 : i32
        %dma_wait3A_266 = tpu.memref_slice %arg3[%dma_wait3A_264, %dma_wait3A_265] : memref<1000000x16xf32, #tpu.memory_space<hbm>> -> memref<1000000x16xf32, #tpu.memory_space<hbm>>
        tpu.wait_indirect_dma semaphore(%arg8 : memref<!tpu.dma_semaphore, #tpu.memory_space<semaphore_mem>>) src(%dma_wait3A_266 : memref<1000000x16xf32, #tpu.memory_space<hbm>>) dst(%dma_wait3A_261 : memref<128x16xf32, #tpu.memory_space<vmem>>)
        %dma_wait3A_267 = arith.constant 3 : i32
        %dma_wait3A_268 = arith.constant 0 : i32
        %dma_wait3A_269 = arith.constant 0 : i32
        %dma_wait3A_270 = tpu.memref_slice %arg6[%dma_wait3A_267, %dma_wait3A_268, %dma_wait3A_269] : memref<8x128x16xf32, #tpu.memory_space<vmem>> -> memref<1x128x16xf32, #tpu.memory_space<vmem>>
        %dma_wait3A_271 = tpu.memref_squeeze %dma_wait3A_270 : memref<1x128x16xf32, #tpu.memory_space<vmem>> -> memref<128x16xf32, #tpu.memory_space<vmem>>
        %dma_wait3A_272 = arith.constant 0 : i32
        %dma_wait3A_273 = tpu.memref_slice %arg5[%dma_wait3A_272] : memref<16384xi32, #tpu.memory_space<vmem>> -> memref<128xi32, #tpu.memory_space<vmem>>
        %dma_wait3A_274 = arith.constant 0 : i32
        %dma_wait3A_275 = arith.constant 0 : i32
        %dma_wait3A_276 = tpu.memref_slice %arg3[%dma_wait3A_274, %dma_wait3A_275] : memref<1000000x16xf32, #tpu.memory_space<hbm>> -> memref<1000000x16xf32, #tpu.memory_space<hbm>>
        tpu.wait_indirect_dma semaphore(%arg8 : memref<!tpu.dma_semaphore, #tpu.memory_space<semaphore_mem>>) src(%dma_wait3A_276 : memref<1000000x16xf32, #tpu.memory_space<hbm>>) dst(%dma_wait3A_271 : memref<128x16xf32, #tpu.memory_space<vmem>>)
        %dma_wait3A_277 = arith.constant 4 : i32
        %dma_wait3A_278 = arith.constant 0 : i32
        %dma_wait3A_279 = arith.constant 0 : i32
        %dma_wait3A_280 = tpu.memref_slice %arg6[%dma_wait3A_277, %dma_wait3A_278, %dma_wait3A_279] : memref<8x128x16xf32, #tpu.memory_space<vmem>> -> memref<1x128x16xf32, #tpu.memory_space<vmem>>
        %dma_wait3A_281 = tpu.memref_squeeze %dma_wait3A_280 : memref<1x128x16xf32, #tpu.memory_space<vmem>> -> memref<128x16xf32, #tpu.memory_space<vmem>>
        %dma_wait3A_282 = arith.constant 0 : i32
        %dma_wait3A_283 = tpu.memref_slice %arg5[%dma_wait3A_282] : memref<16384xi32, #tpu.memory_space<vmem>> -> memref<128xi32, #tpu.memory_space<vmem>>
        %dma_wait3A_284 = arith.constant 0 : i32
        %dma_wait3A_285 = arith.constant 0 : i32
        %dma_wait3A_286 = tpu.memref_slice %arg3[%dma_wait3A_284, %dma_wait3A_285] : memref<1000000x16xf32, #tpu.memory_space<hbm>> -> memref<1000000x16xf32, #tpu.memory_space<hbm>>
        tpu.wait_indirect_dma semaphore(%arg8 : memref<!tpu.dma_semaphore, #tpu.memory_space<semaphore_mem>>) src(%dma_wait3A_286 : memref<1000000x16xf32, #tpu.memory_space<hbm>>) dst(%dma_wait3A_281 : memref<128x16xf32, #tpu.memory_space<vmem>>)
        %dma_wait3A_287 = arith.constant 5 : i32
        %dma_wait3A_288 = arith.constant 0 : i32
        %dma_wait3A_289 = arith.constant 0 : i32
        %dma_wait3A_290 = tpu.memref_slice %arg6[%dma_wait3A_287, %dma_wait3A_288, %dma_wait3A_289] : memref<8x128x16xf32, #tpu.memory_space<vmem>> -> memref<1x128x16xf32, #tpu.memory_space<vmem>>
        %dma_wait3A_291 = tpu.memref_squeeze %dma_wait3A_290 : memref<1x128x16xf32, #tpu.memory_space<vmem>> -> memref<128x16xf32, #tpu.memory_space<vmem>>
        %dma_wait3A_292 = arith.constant 0 : i32
        %dma_wait3A_293 = tpu.memref_slice %arg5[%dma_wait3A_292] : memref<16384xi32, #tpu.memory_space<vmem>> -> memref<128xi32, #tpu.memory_space<vmem>>
        %dma_wait3A_294 = arith.constant 0 : i32
        %dma_wait3A_295 = arith.constant 0 : i32
        %dma_wait3A_296 = tpu.memref_slice %arg3[%dma_wait3A_294, %dma_wait3A_295] : memref<1000000x16xf32, #tpu.memory_space<hbm>> -> memref<1000000x16xf32, #tpu.memory_space<hbm>>
        tpu.wait_indirect_dma semaphore(%arg8 : memref<!tpu.dma_semaphore, #tpu.memory_space<semaphore_mem>>) src(%dma_wait3A_296 : memref<1000000x16xf32, #tpu.memory_space<hbm>>) dst(%dma_wait3A_291 : memref<128x16xf32, #tpu.memory_space<vmem>>)
        %dma_wait3A_297 = arith.constant 6 : i32
        %dma_wait3A_298 = arith.constant 0 : i32
        %dma_wait3A_299 = arith.constant 0 : i32
        %dma_wait3A_300 = tpu.memref_slice %arg6[%dma_wait3A_297, %dma_wait3A_298, %dma_wait3A_299] : memref<8x128x16xf32, #tpu.memory_space<vmem>> -> memref<1x128x16xf32, #tpu.memory_space<vmem>>
        %dma_wait3A_301 = tpu.memref_squeeze %dma_wait3A_300 : memref<1x128x16xf32, #tpu.memory_space<vmem>> -> memref<128x16xf32, #tpu.memory_space<vmem>>
        %dma_wait3A_302 = arith.constant 0 : i32
        %dma_wait3A_303 = tpu.memref_slice %arg5[%dma_wait3A_302] : memref<16384xi32, #tpu.memory_space<vmem>> -> memref<128xi32, #tpu.memory_space<vmem>>
        %dma_wait3A_304 = arith.constant 0 : i32
        %dma_wait3A_305 = arith.constant 0 : i32
        %dma_wait3A_306 = tpu.memref_slice %arg3[%dma_wait3A_304, %dma_wait3A_305] : memref<1000000x16xf32, #tpu.memory_space<hbm>> -> memref<1000000x16xf32, #tpu.memory_space<hbm>>
        tpu.wait_indirect_dma semaphore(%arg8 : memref<!tpu.dma_semaphore, #tpu.memory_space<semaphore_mem>>) src(%dma_wait3A_306 : memref<1000000x16xf32, #tpu.memory_space<hbm>>) dst(%dma_wait3A_301 : memref<128x16xf32, #tpu.memory_space<vmem>>)
        %dma_wait3A_307 = arith.constant 7 : i32
        %dma_wait3A_308 = arith.constant 0 : i32
        %dma_wait3A_309 = arith.constant 0 : i32
        %dma_wait3A_310 = tpu.memref_slice %arg6[%dma_wait3A_307, %dma_wait3A_308, %dma_wait3A_309] : memref<8x128x16xf32, #tpu.memory_space<vmem>> -> memref<1x128x16xf32, #tpu.memory_space<vmem>>
        %dma_wait3A_311 = tpu.memref_squeeze %dma_wait3A_310 : memref<1x128x16xf32, #tpu.memory_space<vmem>> -> memref<128x16xf32, #tpu.memory_space<vmem>>
        %dma_wait3A_312 = arith.constant 0 : i32
        %dma_wait3A_313 = tpu.memref_slice %arg5[%dma_wait3A_312] : memref<16384xi32, #tpu.memory_space<vmem>> -> memref<128xi32, #tpu.memory_space<vmem>>
        %dma_wait3A_314 = arith.constant 0 : i32
        %dma_wait3A_315 = arith.constant 0 : i32
        %dma_wait3A_316 = tpu.memref_slice %arg3[%dma_wait3A_314, %dma_wait3A_315] : memref<1000000x16xf32, #tpu.memory_space<hbm>> -> memref<1000000x16xf32, #tpu.memory_space<hbm>>
        tpu.wait_indirect_dma semaphore(%arg8 : memref<!tpu.dma_semaphore, #tpu.memory_space<semaphore_mem>>) src(%dma_wait3A_316 : memref<1000000x16xf32, #tpu.memory_space<hbm>>) dst(%dma_wait3A_311 : memref<128x16xf32, #tpu.memory_space<vmem>>)
        %mul3A_317 = arith.constant 1024 : i32
        %mul3A_318 = arith.muli %mul3A_232, %mul3A_317 : i32
        %add3A_319 = arith.constant 0 : i32
        %add3A_320 = arith.addi %mul3A_318, %add3A_319 : i32
        %dma_start3A_321 = arith.constant 0 : i32
        %dma_start3A_322 = arith.constant 0 : i32
        %dma_start3A_323 = arith.constant 0 : i32
        %dma_start3A_324 = tpu.memref_slice %arg6[%dma_start3A_321, %dma_start3A_322, %dma_start3A_323] : memref<8x128x16xf32, #tpu.memory_space<vmem>> -> memref<1x128x16xf32, #tpu.memory_space<vmem>>
        %dma_start3A_325 = tpu.memref_squeeze %dma_start3A_324 : memref<1x128x16xf32, #tpu.memory_space<vmem>> -> memref<128x16xf32, #tpu.memory_space<vmem>>
        %dma_start3A_326 = arith.constant 0 : i32
        %dma_start3A_327 = tpu.memref_slice %arg4[%add3A, %add3A_320, %dma_start3A_326] : memref<26x16384x16xf32, #tpu.memory_space<hbm>> -> memref<1x128x16xf32, #tpu.memory_space<hbm>>
        %dma_start3A_328 = tpu.memref_squeeze %dma_start3A_327 : memref<1x128x16xf32, #tpu.memory_space<hbm>> -> memref<128x16xf32, #tpu.memory_space<hbm>>
        %dma_start3A_329 = arith.constant 0 : i32
        %dma_start3A_330 = tpu.memref_slice %arg4[%add3A, %add3A_320, %dma_start3A_329] : memref<26x16384x16xf32, #tpu.memory_space<hbm>> -> memref<1x128x16xf32, #tpu.memory_space<hbm>>
        %dma_start3A_331 = tpu.memref_squeeze %dma_start3A_330 : memref<1x128x16xf32, #tpu.memory_space<hbm>> -> memref<128x16xf32, #tpu.memory_space<hbm>>
        %dma_start3A_332 = arith.constant 0 : i32
        %dma_start3A_333 = arith.constant 0 : i32
        %dma_start3A_334 = tpu.memref_slice %arg6[%dma_start3A_321, %dma_start3A_332, %dma_start3A_333] : memref<8x128x16xf32, #tpu.memory_space<vmem>> -> memref<1x128x16xf32, #tpu.memory_space<vmem>>
        %dma_start3A_335 = tpu.memref_squeeze %dma_start3A_334 : memref<1x128x16xf32, #tpu.memory_space<vmem>> -> memref<128x16xf32, #tpu.memory_space<vmem>>
        tpu.enqueue_dma source(%dma_start3A_335 : memref<128x16xf32, #tpu.memory_space<vmem>>) target(%dma_start3A_331 : memref<128x16xf32, #tpu.memory_space<hbm>>) target_semaphore(%arg9 : memref<!tpu.dma_semaphore, #tpu.memory_space<semaphore_mem>>)
        %mul3A_336 = arith.constant 1024 : i32
        %mul3A_337 = arith.muli %mul3A_232, %mul3A_336 : i32
        %add3A_338 = arith.constant 128 : i32
        %add3A_339 = arith.addi %mul3A_337, %add3A_338 : i32
        %dma_start3A_340 = arith.constant 1 : i32
        %dma_start3A_341 = arith.constant 0 : i32
        %dma_start3A_342 = arith.constant 0 : i32
        %dma_start3A_343 = tpu.memref_slice %arg6[%dma_start3A_340, %dma_start3A_341, %dma_start3A_342] : memref<8x128x16xf32, #tpu.memory_space<vmem>> -> memref<1x128x16xf32, #tpu.memory_space<vmem>>
        %dma_start3A_344 = tpu.memref_squeeze %dma_start3A_343 : memref<1x128x16xf32, #tpu.memory_space<vmem>> -> memref<128x16xf32, #tpu.memory_space<vmem>>
        %dma_start3A_345 = arith.constant 0 : i32
        %dma_start3A_346 = tpu.memref_slice %arg4[%add3A, %add3A_339, %dma_start3A_345] : memref<26x16384x16xf32, #tpu.memory_space<hbm>> -> memref<1x128x16xf32, #tpu.memory_space<hbm>>
        %dma_start3A_347 = tpu.memref_squeeze %dma_start3A_346 : memref<1x128x16xf32, #tpu.memory_space<hbm>> -> memref<128x16xf32, #tpu.memory_space<hbm>>
        %dma_start3A_348 = arith.constant 0 : i32
        %dma_start3A_349 = tpu.memref_slice %arg4[%add3A, %add3A_339, %dma_start3A_348] : memref<26x16384x16xf32, #tpu.memory_space<hbm>> -> memref<1x128x16xf32, #tpu.memory_space<hbm>>
        %dma_start3A_350 = tpu.memref_squeeze %dma_start3A_349 : memref<1x128x16xf32, #tpu.memory_space<hbm>> -> memref<128x16xf32, #tpu.memory_space<hbm>>
        %dma_start3A_351 = arith.constant 0 : i32
        %dma_start3A_352 = arith.constant 0 : i32
        %dma_start3A_353 = tpu.memref_slice %arg6[%dma_start3A_340, %dma_start3A_351, %dma_start3A_352] : memref<8x128x16xf32, #tpu.memory_space<vmem>> -> memref<1x128x16xf32, #tpu.memory_space<vmem>>
        %dma_start3A_354 = tpu.memref_squeeze %dma_start3A_353 : memref<1x128x16xf32, #tpu.memory_space<vmem>> -> memref<128x16xf32, #tpu.memory_space<vmem>>
        tpu.enqueue_dma source(%dma_start3A_354 : memref<128x16xf32, #tpu.memory_space<vmem>>) target(%dma_start3A_350 : memref<128x16xf32, #tpu.memory_space<hbm>>) target_semaphore(%arg9 : memref<!tpu.dma_semaphore, #tpu.memory_space<semaphore_mem>>)
        %mul3A_355 = arith.constant 1024 : i32
        %mul3A_356 = arith.muli %mul3A_232, %mul3A_355 : i32
        %add3A_357 = arith.constant 256 : i32
        %add3A_358 = arith.addi %mul3A_356, %add3A_357 : i32
        %dma_start3A_359 = arith.constant 2 : i32
        %dma_start3A_360 = arith.constant 0 : i32
        %dma_start3A_361 = arith.constant 0 : i32
        %dma_start3A_362 = tpu.memref_slice %arg6[%dma_start3A_359, %dma_start3A_360, %dma_start3A_361] : memref<8x128x16xf32, #tpu.memory_space<vmem>> -> memref<1x128x16xf32, #tpu.memory_space<vmem>>
        %dma_start3A_363 = tpu.memref_squeeze %dma_start3A_362 : memref<1x128x16xf32, #tpu.memory_space<vmem>> -> memref<128x16xf32, #tpu.memory_space<vmem>>
        %dma_start3A_364 = arith.constant 0 : i32
        %dma_start3A_365 = tpu.memref_slice %arg4[%add3A, %add3A_358, %dma_start3A_364] : memref<26x16384x16xf32, #tpu.memory_space<hbm>> -> memref<1x128x16xf32, #tpu.memory_space<hbm>>
        %dma_start3A_366 = tpu.memref_squeeze %dma_start3A_365 : memref<1x128x16xf32, #tpu.memory_space<hbm>> -> memref<128x16xf32, #tpu.memory_space<hbm>>
        %dma_start3A_367 = arith.constant 0 : i32
        %dma_start3A_368 = tpu.memref_slice %arg4[%add3A, %add3A_358, %dma_start3A_367] : memref<26x16384x16xf32, #tpu.memory_space<hbm>> -> memref<1x128x16xf32, #tpu.memory_space<hbm>>
        %dma_start3A_369 = tpu.memref_squeeze %dma_start3A_368 : memref<1x128x16xf32, #tpu.memory_space<hbm>> -> memref<128x16xf32, #tpu.memory_space<hbm>>
        %dma_start3A_370 = arith.constant 0 : i32
        %dma_start3A_371 = arith.constant 0 : i32
        %dma_start3A_372 = tpu.memref_slice %arg6[%dma_start3A_359, %dma_start3A_370, %dma_start3A_371] : memref<8x128x16xf32, #tpu.memory_space<vmem>> -> memref<1x128x16xf32, #tpu.memory_space<vmem>>
        %dma_start3A_373 = tpu.memref_squeeze %dma_start3A_372 : memref<1x128x16xf32, #tpu.memory_space<vmem>> -> memref<128x16xf32, #tpu.memory_space<vmem>>
        tpu.enqueue_dma source(%dma_start3A_373 : memref<128x16xf32, #tpu.memory_space<vmem>>) target(%dma_start3A_369 : memref<128x16xf32, #tpu.memory_space<hbm>>) target_semaphore(%arg9 : memref<!tpu.dma_semaphore, #tpu.memory_space<semaphore_mem>>)
        %mul3A_374 = arith.constant 1024 : i32
        %mul3A_375 = arith.muli %mul3A_232, %mul3A_374 : i32
        %add3A_376 = arith.constant 384 : i32
        %add3A_377 = arith.addi %mul3A_375, %add3A_376 : i32
        %dma_start3A_378 = arith.constant 3 : i32
        %dma_start3A_379 = arith.constant 0 : i32
        %dma_start3A_380 = arith.constant 0 : i32
        %dma_start3A_381 = tpu.memref_slice %arg6[%dma_start3A_378, %dma_start3A_379, %dma_start3A_380] : memref<8x128x16xf32, #tpu.memory_space<vmem>> -> memref<1x128x16xf32, #tpu.memory_space<vmem>>
        %dma_start3A_382 = tpu.memref_squeeze %dma_start3A_381 : memref<1x128x16xf32, #tpu.memory_space<vmem>> -> memref<128x16xf32, #tpu.memory_space<vmem>>
        %dma_start3A_383 = arith.constant 0 : i32
        %dma_start3A_384 = tpu.memref_slice %arg4[%add3A, %add3A_377, %dma_start3A_383] : memref<26x16384x16xf32, #tpu.memory_space<hbm>> -> memref<1x128x16xf32, #tpu.memory_space<hbm>>
        %dma_start3A_385 = tpu.memref_squeeze %dma_start3A_384 : memref<1x128x16xf32, #tpu.memory_space<hbm>> -> memref<128x16xf32, #tpu.memory_space<hbm>>
        %dma_start3A_386 = arith.constant 0 : i32
        %dma_start3A_387 = tpu.memref_slice %arg4[%add3A, %add3A_377, %dma_start3A_386] : memref<26x16384x16xf32, #tpu.memory_space<hbm>> -> memref<1x128x16xf32, #tpu.memory_space<hbm>>
        %dma_start3A_388 = tpu.memref_squeeze %dma_start3A_387 : memref<1x128x16xf32, #tpu.memory_space<hbm>> -> memref<128x16xf32, #tpu.memory_space<hbm>>
        %dma_start3A_389 = arith.constant 0 : i32
        %dma_start3A_390 = arith.constant 0 : i32
        %dma_start3A_391 = tpu.memref_slice %arg6[%dma_start3A_378, %dma_start3A_389, %dma_start3A_390] : memref<8x128x16xf32, #tpu.memory_space<vmem>> -> memref<1x128x16xf32, #tpu.memory_space<vmem>>
        %dma_start3A_392 = tpu.memref_squeeze %dma_start3A_391 : memref<1x128x16xf32, #tpu.memory_space<vmem>> -> memref<128x16xf32, #tpu.memory_space<vmem>>
        tpu.enqueue_dma source(%dma_start3A_392 : memref<128x16xf32, #tpu.memory_space<vmem>>) target(%dma_start3A_388 : memref<128x16xf32, #tpu.memory_space<hbm>>) target_semaphore(%arg9 : memref<!tpu.dma_semaphore, #tpu.memory_space<semaphore_mem>>)
        %mul3A_393 = arith.constant 1024 : i32
        %mul3A_394 = arith.muli %mul3A_232, %mul3A_393 : i32
        %add3A_395 = arith.constant 512 : i32
        %add3A_396 = arith.addi %mul3A_394, %add3A_395 : i32
        %dma_start3A_397 = arith.constant 4 : i32
        %dma_start3A_398 = arith.constant 0 : i32
        %dma_start3A_399 = arith.constant 0 : i32
        %dma_start3A_400 = tpu.memref_slice %arg6[%dma_start3A_397, %dma_start3A_398, %dma_start3A_399] : memref<8x128x16xf32, #tpu.memory_space<vmem>> -> memref<1x128x16xf32, #tpu.memory_space<vmem>>
        %dma_start3A_401 = tpu.memref_squeeze %dma_start3A_400 : memref<1x128x16xf32, #tpu.memory_space<vmem>> -> memref<128x16xf32, #tpu.memory_space<vmem>>
        %dma_start3A_402 = arith.constant 0 : i32
        %dma_start3A_403 = tpu.memref_slice %arg4[%add3A, %add3A_396, %dma_start3A_402] : memref<26x16384x16xf32, #tpu.memory_space<hbm>> -> memref<1x128x16xf32, #tpu.memory_space<hbm>>
        %dma_start3A_404 = tpu.memref_squeeze %dma_start3A_403 : memref<1x128x16xf32, #tpu.memory_space<hbm>> -> memref<128x16xf32, #tpu.memory_space<hbm>>
        %dma_start3A_405 = arith.constant 0 : i32
        %dma_start3A_406 = tpu.memref_slice %arg4[%add3A, %add3A_396, %dma_start3A_405] : memref<26x16384x16xf32, #tpu.memory_space<hbm>> -> memref<1x128x16xf32, #tpu.memory_space<hbm>>
        %dma_start3A_407 = tpu.memref_squeeze %dma_start3A_406 : memref<1x128x16xf32, #tpu.memory_space<hbm>> -> memref<128x16xf32, #tpu.memory_space<hbm>>
        %dma_start3A_408 = arith.constant 0 : i32
        %dma_start3A_409 = arith.constant 0 : i32
        %dma_start3A_410 = tpu.memref_slice %arg6[%dma_start3A_397, %dma_start3A_408, %dma_start3A_409] : memref<8x128x16xf32, #tpu.memory_space<vmem>> -> memref<1x128x16xf32, #tpu.memory_space<vmem>>
        %dma_start3A_411 = tpu.memref_squeeze %dma_start3A_410 : memref<1x128x16xf32, #tpu.memory_space<vmem>> -> memref<128x16xf32, #tpu.memory_space<vmem>>
        tpu.enqueue_dma source(%dma_start3A_411 : memref<128x16xf32, #tpu.memory_space<vmem>>) target(%dma_start3A_407 : memref<128x16xf32, #tpu.memory_space<hbm>>) target_semaphore(%arg9 : memref<!tpu.dma_semaphore, #tpu.memory_space<semaphore_mem>>)
        %mul3A_412 = arith.constant 1024 : i32
        %mul3A_413 = arith.muli %mul3A_232, %mul3A_412 : i32
        %add3A_414 = arith.constant 640 : i32
        %add3A_415 = arith.addi %mul3A_413, %add3A_414 : i32
        %dma_start3A_416 = arith.constant 5 : i32
        %dma_start3A_417 = arith.constant 0 : i32
        %dma_start3A_418 = arith.constant 0 : i32
        %dma_start3A_419 = tpu.memref_slice %arg6[%dma_start3A_416, %dma_start3A_417, %dma_start3A_418] : memref<8x128x16xf32, #tpu.memory_space<vmem>> -> memref<1x128x16xf32, #tpu.memory_space<vmem>>
        %dma_start3A_420 = tpu.memref_squeeze %dma_start3A_419 : memref<1x128x16xf32, #tpu.memory_space<vmem>> -> memref<128x16xf32, #tpu.memory_space<vmem>>
        %dma_start3A_421 = arith.constant 0 : i32
        %dma_start3A_422 = tpu.memref_slice %arg4[%add3A, %add3A_415, %dma_start3A_421] : memref<26x16384x16xf32, #tpu.memory_space<hbm>> -> memref<1x128x16xf32, #tpu.memory_space<hbm>>
        %dma_start3A_423 = tpu.memref_squeeze %dma_start3A_422 : memref<1x128x16xf32, #tpu.memory_space<hbm>> -> memref<128x16xf32, #tpu.memory_space<hbm>>
        %dma_start3A_424 = arith.constant 0 : i32
        %dma_start3A_425 = tpu.memref_slice %arg4[%add3A, %add3A_415, %dma_start3A_424] : memref<26x16384x16xf32, #tpu.memory_space<hbm>> -> memref<1x128x16xf32, #tpu.memory_space<hbm>>
        %dma_start3A_426 = tpu.memref_squeeze %dma_start3A_425 : memref<1x128x16xf32, #tpu.memory_space<hbm>> -> memref<128x16xf32, #tpu.memory_space<hbm>>
        %dma_start3A_427 = arith.constant 0 : i32
        %dma_start3A_428 = arith.constant 0 : i32
        %dma_start3A_429 = tpu.memref_slice %arg6[%dma_start3A_416, %dma_start3A_427, %dma_start3A_428] : memref<8x128x16xf32, #tpu.memory_space<vmem>> -> memref<1x128x16xf32, #tpu.memory_space<vmem>>
        %dma_start3A_430 = tpu.memref_squeeze %dma_start3A_429 : memref<1x128x16xf32, #tpu.memory_space<vmem>> -> memref<128x16xf32, #tpu.memory_space<vmem>>
        tpu.enqueue_dma source(%dma_start3A_430 : memref<128x16xf32, #tpu.memory_space<vmem>>) target(%dma_start3A_426 : memref<128x16xf32, #tpu.memory_space<hbm>>) target_semaphore(%arg9 : memref<!tpu.dma_semaphore, #tpu.memory_space<semaphore_mem>>)
        %mul3A_431 = arith.constant 1024 : i32
        %mul3A_432 = arith.muli %mul3A_232, %mul3A_431 : i32
        %add3A_433 = arith.constant 768 : i32
        %add3A_434 = arith.addi %mul3A_432, %add3A_433 : i32
        %dma_start3A_435 = arith.constant 6 : i32
        %dma_start3A_436 = arith.constant 0 : i32
        %dma_start3A_437 = arith.constant 0 : i32
        %dma_start3A_438 = tpu.memref_slice %arg6[%dma_start3A_435, %dma_start3A_436, %dma_start3A_437] : memref<8x128x16xf32, #tpu.memory_space<vmem>> -> memref<1x128x16xf32, #tpu.memory_space<vmem>>
        %dma_start3A_439 = tpu.memref_squeeze %dma_start3A_438 : memref<1x128x16xf32, #tpu.memory_space<vmem>> -> memref<128x16xf32, #tpu.memory_space<vmem>>
        %dma_start3A_440 = arith.constant 0 : i32
        %dma_start3A_441 = tpu.memref_slice %arg4[%add3A, %add3A_434, %dma_start3A_440] : memref<26x16384x16xf32, #tpu.memory_space<hbm>> -> memref<1x128x16xf32, #tpu.memory_space<hbm>>
        %dma_start3A_442 = tpu.memref_squeeze %dma_start3A_441 : memref<1x128x16xf32, #tpu.memory_space<hbm>> -> memref<128x16xf32, #tpu.memory_space<hbm>>
        %dma_start3A_443 = arith.constant 0 : i32
        %dma_start3A_444 = tpu.memref_slice %arg4[%add3A, %add3A_434, %dma_start3A_443] : memref<26x16384x16xf32, #tpu.memory_space<hbm>> -> memref<1x128x16xf32, #tpu.memory_space<hbm>>
        %dma_start3A_445 = tpu.memref_squeeze %dma_start3A_444 : memref<1x128x16xf32, #tpu.memory_space<hbm>> -> memref<128x16xf32, #tpu.memory_space<hbm>>
        %dma_start3A_446 = arith.constant 0 : i32
        %dma_start3A_447 = arith.constant 0 : i32
        %dma_start3A_448 = tpu.memref_slice %arg6[%dma_start3A_435, %dma_start3A_446, %dma_start3A_447] : memref<8x128x16xf32, #tpu.memory_space<vmem>> -> memref<1x128x16xf32, #tpu.memory_space<vmem>>
        %dma_start3A_449 = tpu.memref_squeeze %dma_start3A_448 : memref<1x128x16xf32, #tpu.memory_space<vmem>> -> memref<128x16xf32, #tpu.memory_space<vmem>>
        tpu.enqueue_dma source(%dma_start3A_449 : memref<128x16xf32, #tpu.memory_space<vmem>>) target(%dma_start3A_445 : memref<128x16xf32, #tpu.memory_space<hbm>>) target_semaphore(%arg9 : memref<!tpu.dma_semaphore, #tpu.memory_space<semaphore_mem>>)
        %mul3A_450 = arith.constant 1024 : i32
        %mul3A_451 = arith.muli %mul3A_232, %mul3A_450 : i32
        %add3A_452 = arith.constant 896 : i32
        %add3A_453 = arith.addi %mul3A_451, %add3A_452 : i32
        %dma_start3A_454 = arith.constant 7 : i32
        %dma_start3A_455 = arith.constant 0 : i32
        %dma_start3A_456 = arith.constant 0 : i32
        %dma_start3A_457 = tpu.memref_slice %arg6[%dma_start3A_454, %dma_start3A_455, %dma_start3A_456] : memref<8x128x16xf32, #tpu.memory_space<vmem>> -> memref<1x128x16xf32, #tpu.memory_space<vmem>>
        %dma_start3A_458 = tpu.memref_squeeze %dma_start3A_457 : memref<1x128x16xf32, #tpu.memory_space<vmem>> -> memref<128x16xf32, #tpu.memory_space<vmem>>
        %dma_start3A_459 = arith.constant 0 : i32
        %dma_start3A_460 = tpu.memref_slice %arg4[%add3A, %add3A_453, %dma_start3A_459] : memref<26x16384x16xf32, #tpu.memory_space<hbm>> -> memref<1x128x16xf32, #tpu.memory_space<hbm>>
        %dma_start3A_461 = tpu.memref_squeeze %dma_start3A_460 : memref<1x128x16xf32, #tpu.memory_space<hbm>> -> memref<128x16xf32, #tpu.memory_space<hbm>>
        %dma_start3A_462 = arith.constant 0 : i32
        %dma_start3A_463 = tpu.memref_slice %arg4[%add3A, %add3A_453, %dma_start3A_462] : memref<26x16384x16xf32, #tpu.memory_space<hbm>> -> memref<1x128x16xf32, #tpu.memory_space<hbm>>
        %dma_start3A_464 = tpu.memref_squeeze %dma_start3A_463 : memref<1x128x16xf32, #tpu.memory_space<hbm>> -> memref<128x16xf32, #tpu.memory_space<hbm>>
        %dma_start3A_465 = arith.constant 0 : i32
        %dma_start3A_466 = arith.constant 0 : i32
        %dma_start3A_467 = tpu.memref_slice %arg6[%dma_start3A_454, %dma_start3A_465, %dma_start3A_466] : memref<8x128x16xf32, #tpu.memory_space<vmem>> -> memref<1x128x16xf32, #tpu.memory_space<vmem>>
        %dma_start3A_468 = tpu.memref_squeeze %dma_start3A_467 : memref<1x128x16xf32, #tpu.memory_space<vmem>> -> memref<128x16xf32, #tpu.memory_space<vmem>>
        tpu.enqueue_dma source(%dma_start3A_468 : memref<128x16xf32, #tpu.memory_space<vmem>>) target(%dma_start3A_464 : memref<128x16xf32, #tpu.memory_space<hbm>>) target_semaphore(%arg9 : memref<!tpu.dma_semaphore, #tpu.memory_space<semaphore_mem>>)
        %ge3A = arith.constant 1 : i32
        %ge3A_469 = arith.cmpi sge, %scan3A_230, %ge3A : i32
        %convert_element_type3A_470 = arith.extui %ge3A_469 : i1 to i32
        %cond3A_471 = arith.constant 0 : i32
        %cond3A_472 = arith.cmpi ne, %convert_element_type3A_470, %cond3A_471 : i32
        scf.if %cond3A_472 {
          %dma_wait3A_960 = arith.constant 0 : i32
          %dma_wait3A_961 = arith.constant 0 : i32
          %dma_wait3A_962 = arith.constant 0 : i32
          %dma_wait3A_963 = arith.constant 0 : i32
          %dma_wait3A_964 = tpu.memref_slice %arg6[%dma_wait3A_960, %dma_wait3A_962, %dma_wait3A_963] : memref<8x128x16xf32, #tpu.memory_space<vmem>> -> memref<1x128x16xf32, #tpu.memory_space<vmem>>
          %dma_wait3A_965 = tpu.memref_squeeze %dma_wait3A_964 : memref<1x128x16xf32, #tpu.memory_space<vmem>> -> memref<128x16xf32, #tpu.memory_space<vmem>>
          %dma_wait3A_966 = arith.constant 0 : i32
          %dma_wait3A_967 = arith.constant 0 : i32
          %dma_wait3A_968 = tpu.memref_slice %arg4[%dma_wait3A_961, %dma_wait3A_966, %dma_wait3A_967] : memref<26x16384x16xf32, #tpu.memory_space<hbm>> -> memref<1x128x16xf32, #tpu.memory_space<hbm>>
          %dma_wait3A_969 = tpu.memref_squeeze %dma_wait3A_968 : memref<1x128x16xf32, #tpu.memory_space<hbm>> -> memref<128x16xf32, #tpu.memory_space<hbm>>
          %dma_wait3A_970 = arith.constant 0 : i32
          %dma_wait3A_971 = arith.constant 0 : i32
          %dma_wait3A_972 = tpu.memref_slice %arg4[%dma_wait3A_961, %dma_wait3A_970, %dma_wait3A_971] : memref<26x16384x16xf32, #tpu.memory_space<hbm>> -> memref<1x128x16xf32, #tpu.memory_space<hbm>>
          %dma_wait3A_973 = tpu.memref_squeeze %dma_wait3A_972 : memref<1x128x16xf32, #tpu.memory_space<hbm>> -> memref<128x16xf32, #tpu.memory_space<hbm>>
          %dma_wait3A_974 = arith.constant 0 : i32
          %dma_wait3A_975 = arith.constant 0 : i32
          %dma_wait3A_976 = tpu.memref_slice %arg6[%dma_wait3A_960, %dma_wait3A_974, %dma_wait3A_975] : memref<8x128x16xf32, #tpu.memory_space<vmem>> -> memref<1x128x16xf32, #tpu.memory_space<vmem>>
          %dma_wait3A_977 = tpu.memref_squeeze %dma_wait3A_976 : memref<1x128x16xf32, #tpu.memory_space<vmem>> -> memref<128x16xf32, #tpu.memory_space<vmem>>
          tpu.wait_dma2 semaphore(%arg9 : memref<!tpu.dma_semaphore, #tpu.memory_space<semaphore_mem>>) src(%dma_wait3A_977 : memref<128x16xf32, #tpu.memory_space<vmem>>) dst(%dma_wait3A_973 : memref<128x16xf32, #tpu.memory_space<hbm>>)
          %dma_wait3A_978 = arith.constant 0 : i32
          %dma_wait3A_979 = arith.constant 0 : i32
          %dma_wait3A_980 = arith.constant 0 : i32
          %dma_wait3A_981 = arith.constant 0 : i32
          %dma_wait3A_982 = tpu.memref_slice %arg6[%dma_wait3A_978, %dma_wait3A_980, %dma_wait3A_981] : memref<8x128x16xf32, #tpu.memory_space<vmem>> -> memref<1x128x16xf32, #tpu.memory_space<vmem>>
          %dma_wait3A_983 = tpu.memref_squeeze %dma_wait3A_982 : memref<1x128x16xf32, #tpu.memory_space<vmem>> -> memref<128x16xf32, #tpu.memory_space<vmem>>
          %dma_wait3A_984 = arith.constant 0 : i32
          %dma_wait3A_985 = arith.constant 0 : i32
          %dma_wait3A_986 = tpu.memref_slice %arg4[%dma_wait3A_979, %dma_wait3A_984, %dma_wait3A_985] : memref<26x16384x16xf32, #tpu.memory_space<hbm>> -> memref<1x128x16xf32, #tpu.memory_space<hbm>>
          %dma_wait3A_987 = tpu.memref_squeeze %dma_wait3A_986 : memref<1x128x16xf32, #tpu.memory_space<hbm>> -> memref<128x16xf32, #tpu.memory_space<hbm>>
          %dma_wait3A_988 = arith.constant 0 : i32
          %dma_wait3A_989 = arith.constant 0 : i32
          %dma_wait3A_990 = tpu.memref_slice %arg4[%dma_wait3A_979, %dma_wait3A_988, %dma_wait3A_989] : memref<26x16384x16xf32, #tpu.memory_space<hbm>> -> memref<1x128x16xf32, #tpu.memory_space<hbm>>
          %dma_wait3A_991 = tpu.memref_squeeze %dma_wait3A_990 : memref<1x128x16xf32, #tpu.memory_space<hbm>> -> memref<128x16xf32, #tpu.memory_space<hbm>>
          %dma_wait3A_992 = arith.constant 0 : i32
          %dma_wait3A_993 = arith.constant 0 : i32
          %dma_wait3A_994 = tpu.memref_slice %arg6[%dma_wait3A_978, %dma_wait3A_992, %dma_wait3A_993] : memref<8x128x16xf32, #tpu.memory_space<vmem>> -> memref<1x128x16xf32, #tpu.memory_space<vmem>>
          %dma_wait3A_995 = tpu.memref_squeeze %dma_wait3A_994 : memref<1x128x16xf32, #tpu.memory_space<vmem>> -> memref<128x16xf32, #tpu.memory_space<vmem>>
          tpu.wait_dma2 semaphore(%arg9 : memref<!tpu.dma_semaphore, #tpu.memory_space<semaphore_mem>>) src(%dma_wait3A_995 : memref<128x16xf32, #tpu.memory_space<vmem>>) dst(%dma_wait3A_991 : memref<128x16xf32, #tpu.memory_space<hbm>>)
          %dma_wait3A_996 = arith.constant 0 : i32
          %dma_wait3A_997 = arith.constant 0 : i32
          %dma_wait3A_998 = arith.constant 0 : i32
          %dma_wait3A_999 = arith.constant 0 : i32
          %dma_wait3A_1000 = tpu.memref_slice %arg6[%dma_wait3A_996, %dma_wait3A_998, %dma_wait3A_999] : memref<8x128x16xf32, #tpu.memory_space<vmem>> -> memref<1x128x16xf32, #tpu.memory_space<vmem>>
          %dma_wait3A_1001 = tpu.memref_squeeze %dma_wait3A_1000 : memref<1x128x16xf32, #tpu.memory_space<vmem>> -> memref<128x16xf32, #tpu.memory_space<vmem>>
          %dma_wait3A_1002 = arith.constant 0 : i32
          %dma_wait3A_1003 = arith.constant 0 : i32
          %dma_wait3A_1004 = tpu.memref_slice %arg4[%dma_wait3A_997, %dma_wait3A_1002, %dma_wait3A_1003] : memref<26x16384x16xf32, #tpu.memory_space<hbm>> -> memref<1x128x16xf32, #tpu.memory_space<hbm>>
          %dma_wait3A_1005 = tpu.memref_squeeze %dma_wait3A_1004 : memref<1x128x16xf32, #tpu.memory_space<hbm>> -> memref<128x16xf32, #tpu.memory_space<hbm>>
          %dma_wait3A_1006 = arith.constant 0 : i32
          %dma_wait3A_1007 = arith.constant 0 : i32
          %dma_wait3A_1008 = tpu.memref_slice %arg4[%dma_wait3A_997, %dma_wait3A_1006, %dma_wait3A_1007] : memref<26x16384x16xf32, #tpu.memory_space<hbm>> -> memref<1x128x16xf32, #tpu.memory_space<hbm>>
          %dma_wait3A_1009 = tpu.memref_squeeze %dma_wait3A_1008 : memref<1x128x16xf32, #tpu.memory_space<hbm>> -> memref<128x16xf32, #tpu.memory_space<hbm>>
          %dma_wait3A_1010 = arith.constant 0 : i32
          %dma_wait3A_1011 = arith.constant 0 : i32
          %dma_wait3A_1012 = tpu.memref_slice %arg6[%dma_wait3A_996, %dma_wait3A_1010, %dma_wait3A_1011] : memref<8x128x16xf32, #tpu.memory_space<vmem>> -> memref<1x128x16xf32, #tpu.memory_space<vmem>>
          %dma_wait3A_1013 = tpu.memref_squeeze %dma_wait3A_1012 : memref<1x128x16xf32, #tpu.memory_space<vmem>> -> memref<128x16xf32, #tpu.memory_space<vmem>>
          tpu.wait_dma2 semaphore(%arg9 : memref<!tpu.dma_semaphore, #tpu.memory_space<semaphore_mem>>) src(%dma_wait3A_1013 : memref<128x16xf32, #tpu.memory_space<vmem>>) dst(%dma_wait3A_1009 : memref<128x16xf32, #tpu.memory_space<hbm>>)
          %dma_wait3A_1014 = arith.constant 0 : i32
          %dma_wait3A_1015 = arith.constant 0 : i32
          %dma_wait3A_1016 = arith.constant 0 : i32
          %dma_wait3A_1017 = arith.constant 0 : i32
          %dma_wait3A_1018 = tpu.memref_slice %arg6[%dma_wait3A_1014, %dma_wait3A_1016, %dma_wait3A_1017] : memref<8x128x16xf32, #tpu.memory_space<vmem>> -> memref<1x128x16xf32, #tpu.memory_space<vmem>>
          %dma_wait3A_1019 = tpu.memref_squeeze %dma_wait3A_1018 : memref<1x128x16xf32, #tpu.memory_space<vmem>> -> memref<128x16xf32, #tpu.memory_space<vmem>>
          %dma_wait3A_1020 = arith.constant 0 : i32
          %dma_wait3A_1021 = arith.constant 0 : i32
          %dma_wait3A_1022 = tpu.memref_slice %arg4[%dma_wait3A_1015, %dma_wait3A_1020, %dma_wait3A_1021] : memref<26x16384x16xf32, #tpu.memory_space<hbm>> -> memref<1x128x16xf32, #tpu.memory_space<hbm>>
          %dma_wait3A_1023 = tpu.memref_squeeze %dma_wait3A_1022 : memref<1x128x16xf32, #tpu.memory_space<hbm>> -> memref<128x16xf32, #tpu.memory_space<hbm>>
          %dma_wait3A_1024 = arith.constant 0 : i32
          %dma_wait3A_1025 = arith.constant 0 : i32
          %dma_wait3A_1026 = tpu.memref_slice %arg4[%dma_wait3A_1015, %dma_wait3A_1024, %dma_wait3A_1025] : memref<26x16384x16xf32, #tpu.memory_space<hbm>> -> memref<1x128x16xf32, #tpu.memory_space<hbm>>
          %dma_wait3A_1027 = tpu.memref_squeeze %dma_wait3A_1026 : memref<1x128x16xf32, #tpu.memory_space<hbm>> -> memref<128x16xf32, #tpu.memory_space<hbm>>
          %dma_wait3A_1028 = arith.constant 0 : i32
          %dma_wait3A_1029 = arith.constant 0 : i32
          %dma_wait3A_1030 = tpu.memref_slice %arg6[%dma_wait3A_1014, %dma_wait3A_1028, %dma_wait3A_1029] : memref<8x128x16xf32, #tpu.memory_space<vmem>> -> memref<1x128x16xf32, #tpu.memory_space<vmem>>
          %dma_wait3A_1031 = tpu.memref_squeeze %dma_wait3A_1030 : memref<1x128x16xf32, #tpu.memory_space<vmem>> -> memref<128x16xf32, #tpu.memory_space<vmem>>
          tpu.wait_dma2 semaphore(%arg9 : memref<!tpu.dma_semaphore, #tpu.memory_space<semaphore_mem>>) src(%dma_wait3A_1031 : memref<128x16xf32, #tpu.memory_space<vmem>>) dst(%dma_wait3A_1027 : memref<128x16xf32, #tpu.memory_space<hbm>>)
          %dma_wait3A_1032 = arith.constant 0 : i32
          %dma_wait3A_1033 = arith.constant 0 : i32
          %dma_wait3A_1034 = arith.constant 0 : i32
          %dma_wait3A_1035 = arith.constant 0 : i32
          %dma_wait3A_1036 = tpu.memref_slice %arg6[%dma_wait3A_1032, %dma_wait3A_1034, %dma_wait3A_1035] : memref<8x128x16xf32, #tpu.memory_space<vmem>> -> memref<1x128x16xf32, #tpu.memory_space<vmem>>
          %dma_wait3A_1037 = tpu.memref_squeeze %dma_wait3A_1036 : memref<1x128x16xf32, #tpu.memory_space<vmem>> -> memref<128x16xf32, #tpu.memory_space<vmem>>
          %dma_wait3A_1038 = arith.constant 0 : i32
          %dma_wait3A_1039 = arith.constant 0 : i32
          %dma_wait3A_1040 = tpu.memref_slice %arg4[%dma_wait3A_1033, %dma_wait3A_1038, %dma_wait3A_1039] : memref<26x16384x16xf32, #tpu.memory_space<hbm>> -> memref<1x128x16xf32, #tpu.memory_space<hbm>>
          %dma_wait3A_1041 = tpu.memref_squeeze %dma_wait3A_1040 : memref<1x128x16xf32, #tpu.memory_space<hbm>> -> memref<128x16xf32, #tpu.memory_space<hbm>>
          %dma_wait3A_1042 = arith.constant 0 : i32
          %dma_wait3A_1043 = arith.constant 0 : i32
          %dma_wait3A_1044 = tpu.memref_slice %arg4[%dma_wait3A_1033, %dma_wait3A_1042, %dma_wait3A_1043] : memref<26x16384x16xf32, #tpu.memory_space<hbm>> -> memref<1x128x16xf32, #tpu.memory_space<hbm>>
          %dma_wait3A_1045 = tpu.memref_squeeze %dma_wait3A_1044 : memref<1x128x16xf32, #tpu.memory_space<hbm>> -> memref<128x16xf32, #tpu.memory_space<hbm>>
          %dma_wait3A_1046 = arith.constant 0 : i32
          %dma_wait3A_1047 = arith.constant 0 : i32
          %dma_wait3A_1048 = tpu.memref_slice %arg6[%dma_wait3A_1032, %dma_wait3A_1046, %dma_wait3A_1047] : memref<8x128x16xf32, #tpu.memory_space<vmem>> -> memref<1x128x16xf32, #tpu.memory_space<vmem>>
          %dma_wait3A_1049 = tpu.memref_squeeze %dma_wait3A_1048 : memref<1x128x16xf32, #tpu.memory_space<vmem>> -> memref<128x16xf32, #tpu.memory_space<vmem>>
          tpu.wait_dma2 semaphore(%arg9 : memref<!tpu.dma_semaphore, #tpu.memory_space<semaphore_mem>>) src(%dma_wait3A_1049 : memref<128x16xf32, #tpu.memory_space<vmem>>) dst(%dma_wait3A_1045 : memref<128x16xf32, #tpu.memory_space<hbm>>)
          %dma_wait3A_1050 = arith.constant 0 : i32
          %dma_wait3A_1051 = arith.constant 0 : i32
          %dma_wait3A_1052 = arith.constant 0 : i32
          %dma_wait3A_1053 = arith.constant 0 : i32
          %dma_wait3A_1054 = tpu.memref_slice %arg6[%dma_wait3A_1050, %dma_wait3A_1052, %dma_wait3A_1053] : memref<8x128x16xf32, #tpu.memory_space<vmem>> -> memref<1x128x16xf32, #tpu.memory_space<vmem>>
          %dma_wait3A_1055 = tpu.memref_squeeze %dma_wait3A_1054 : memref<1x128x16xf32, #tpu.memory_space<vmem>> -> memref<128x16xf32, #tpu.memory_space<vmem>>
          %dma_wait3A_1056 = arith.constant 0 : i32
          %dma_wait3A_1057 = arith.constant 0 : i32
          %dma_wait3A_1058 = tpu.memref_slice %arg4[%dma_wait3A_1051, %dma_wait3A_1056, %dma_wait3A_1057] : memref<26x16384x16xf32, #tpu.memory_space<hbm>> -> memref<1x128x16xf32, #tpu.memory_space<hbm>>
          %dma_wait3A_1059 = tpu.memref_squeeze %dma_wait3A_1058 : memref<1x128x16xf32, #tpu.memory_space<hbm>> -> memref<128x16xf32, #tpu.memory_space<hbm>>
          %dma_wait3A_1060 = arith.constant 0 : i32
          %dma_wait3A_1061 = arith.constant 0 : i32
          %dma_wait3A_1062 = tpu.memref_slice %arg4[%dma_wait3A_1051, %dma_wait3A_1060, %dma_wait3A_1061] : memref<26x16384x16xf32, #tpu.memory_space<hbm>> -> memref<1x128x16xf32, #tpu.memory_space<hbm>>
          %dma_wait3A_1063 = tpu.memref_squeeze %dma_wait3A_1062 : memref<1x128x16xf32, #tpu.memory_space<hbm>> -> memref<128x16xf32, #tpu.memory_space<hbm>>
          %dma_wait3A_1064 = arith.constant 0 : i32
          %dma_wait3A_1065 = arith.constant 0 : i32
          %dma_wait3A_1066 = tpu.memref_slice %arg6[%dma_wait3A_1050, %dma_wait3A_1064, %dma_wait3A_1065] : memref<8x128x16xf32, #tpu.memory_space<vmem>> -> memref<1x128x16xf32, #tpu.memory_space<vmem>>
          %dma_wait3A_1067 = tpu.memref_squeeze %dma_wait3A_1066 : memref<1x128x16xf32, #tpu.memory_space<vmem>> -> memref<128x16xf32, #tpu.memory_space<vmem>>
          tpu.wait_dma2 semaphore(%arg9 : memref<!tpu.dma_semaphore, #tpu.memory_space<semaphore_mem>>) src(%dma_wait3A_1067 : memref<128x16xf32, #tpu.memory_space<vmem>>) dst(%dma_wait3A_1063 : memref<128x16xf32, #tpu.memory_space<hbm>>)
          %dma_wait3A_1068 = arith.constant 0 : i32
          %dma_wait3A_1069 = arith.constant 0 : i32
          %dma_wait3A_1070 = arith.constant 0 : i32
          %dma_wait3A_1071 = arith.constant 0 : i32
          %dma_wait3A_1072 = tpu.memref_slice %arg6[%dma_wait3A_1068, %dma_wait3A_1070, %dma_wait3A_1071] : memref<8x128x16xf32, #tpu.memory_space<vmem>> -> memref<1x128x16xf32, #tpu.memory_space<vmem>>
          %dma_wait3A_1073 = tpu.memref_squeeze %dma_wait3A_1072 : memref<1x128x16xf32, #tpu.memory_space<vmem>> -> memref<128x16xf32, #tpu.memory_space<vmem>>
          %dma_wait3A_1074 = arith.constant 0 : i32
          %dma_wait3A_1075 = arith.constant 0 : i32
          %dma_wait3A_1076 = tpu.memref_slice %arg4[%dma_wait3A_1069, %dma_wait3A_1074, %dma_wait3A_1075] : memref<26x16384x16xf32, #tpu.memory_space<hbm>> -> memref<1x128x16xf32, #tpu.memory_space<hbm>>
          %dma_wait3A_1077 = tpu.memref_squeeze %dma_wait3A_1076 : memref<1x128x16xf32, #tpu.memory_space<hbm>> -> memref<128x16xf32, #tpu.memory_space<hbm>>
          %dma_wait3A_1078 = arith.constant 0 : i32
          %dma_wait3A_1079 = arith.constant 0 : i32
          %dma_wait3A_1080 = tpu.memref_slice %arg4[%dma_wait3A_1069, %dma_wait3A_1078, %dma_wait3A_1079] : memref<26x16384x16xf32, #tpu.memory_space<hbm>> -> memref<1x128x16xf32, #tpu.memory_space<hbm>>
          %dma_wait3A_1081 = tpu.memref_squeeze %dma_wait3A_1080 : memref<1x128x16xf32, #tpu.memory_space<hbm>> -> memref<128x16xf32, #tpu.memory_space<hbm>>
          %dma_wait3A_1082 = arith.constant 0 : i32
          %dma_wait3A_1083 = arith.constant 0 : i32
          %dma_wait3A_1084 = tpu.memref_slice %arg6[%dma_wait3A_1068, %dma_wait3A_1082, %dma_wait3A_1083] : memref<8x128x16xf32, #tpu.memory_space<vmem>> -> memref<1x128x16xf32, #tpu.memory_space<vmem>>
          %dma_wait3A_1085 = tpu.memref_squeeze %dma_wait3A_1084 : memref<1x128x16xf32, #tpu.memory_space<vmem>> -> memref<128x16xf32, #tpu.memory_space<vmem>>
          tpu.wait_dma2 semaphore(%arg9 : memref<!tpu.dma_semaphore, #tpu.memory_space<semaphore_mem>>) src(%dma_wait3A_1085 : memref<128x16xf32, #tpu.memory_space<vmem>>) dst(%dma_wait3A_1081 : memref<128x16xf32, #tpu.memory_space<hbm>>)
          %dma_wait3A_1086 = arith.constant 0 : i32
          %dma_wait3A_1087 = arith.constant 0 : i32
          %dma_wait3A_1088 = arith.constant 0 : i32
          %dma_wait3A_1089 = arith.constant 0 : i32
          %dma_wait3A_1090 = tpu.memref_slice %arg6[%dma_wait3A_1086, %dma_wait3A_1088, %dma_wait3A_1089] : memref<8x128x16xf32, #tpu.memory_space<vmem>> -> memref<1x128x16xf32, #tpu.memory_space<vmem>>
          %dma_wait3A_1091 = tpu.memref_squeeze %dma_wait3A_1090 : memref<1x128x16xf32, #tpu.memory_space<vmem>> -> memref<128x16xf32, #tpu.memory_space<vmem>>
          %dma_wait3A_1092 = arith.constant 0 : i32
          %dma_wait3A_1093 = arith.constant 0 : i32
          %dma_wait3A_1094 = tpu.memref_slice %arg4[%dma_wait3A_1087, %dma_wait3A_1092, %dma_wait3A_1093] : memref<26x16384x16xf32, #tpu.memory_space<hbm>> -> memref<1x128x16xf32, #tpu.memory_space<hbm>>
          %dma_wait3A_1095 = tpu.memref_squeeze %dma_wait3A_1094 : memref<1x128x16xf32, #tpu.memory_space<hbm>> -> memref<128x16xf32, #tpu.memory_space<hbm>>
          %dma_wait3A_1096 = arith.constant 0 : i32
          %dma_wait3A_1097 = arith.constant 0 : i32
          %dma_wait3A_1098 = tpu.memref_slice %arg4[%dma_wait3A_1087, %dma_wait3A_1096, %dma_wait3A_1097] : memref<26x16384x16xf32, #tpu.memory_space<hbm>> -> memref<1x128x16xf32, #tpu.memory_space<hbm>>
          %dma_wait3A_1099 = tpu.memref_squeeze %dma_wait3A_1098 : memref<1x128x16xf32, #tpu.memory_space<hbm>> -> memref<128x16xf32, #tpu.memory_space<hbm>>
          %dma_wait3A_1100 = arith.constant 0 : i32
          %dma_wait3A_1101 = arith.constant 0 : i32
          %dma_wait3A_1102 = tpu.memref_slice %arg6[%dma_wait3A_1086, %dma_wait3A_1100, %dma_wait3A_1101] : memref<8x128x16xf32, #tpu.memory_space<vmem>> -> memref<1x128x16xf32, #tpu.memory_space<vmem>>
          %dma_wait3A_1103 = tpu.memref_squeeze %dma_wait3A_1102 : memref<1x128x16xf32, #tpu.memory_space<vmem>> -> memref<128x16xf32, #tpu.memory_space<vmem>>
          tpu.wait_dma2 semaphore(%arg9 : memref<!tpu.dma_semaphore, #tpu.memory_space<semaphore_mem>>) src(%dma_wait3A_1103 : memref<128x16xf32, #tpu.memory_space<vmem>>) dst(%dma_wait3A_1099 : memref<128x16xf32, #tpu.memory_space<hbm>>)
        } else {
        }
        %mul3A_473 = arith.constant 1024 : i32
        %mul3A_474 = arith.muli %add3A_236, %mul3A_473 : i32
        %add3A_475 = arith.constant 0 : i32
        %add3A_476 = arith.addi %mul3A_474, %add3A_475 : i32
        %dma_start3A_477 = arith.constant 0 : i32
        %dma_start3A_478 = arith.constant 0 : i32
        %dma_start3A_479 = arith.constant 0 : i32
        %dma_start3A_480 = tpu.memref_slice %arg7[%dma_start3A_477, %dma_start3A_478, %dma_start3A_479] : memref<8x128x16xf32, #tpu.memory_space<vmem>> -> memref<1x128x16xf32, #tpu.memory_space<vmem>>
        %dma_start3A_481 = tpu.memref_squeeze %dma_start3A_480 : memref<1x128x16xf32, #tpu.memory_space<vmem>> -> memref<128x16xf32, #tpu.memory_space<vmem>>
        %dma_start3A_482 = tpu.memref_slice %arg5[%add3A_476] : memref<16384xi32, #tpu.memory_space<vmem>> -> memref<128xi32, #tpu.memory_space<vmem>>
        %dma_start3A_483 = arith.constant 0 : i32
        %dma_start3A_484 = arith.constant 0 : i32
        %dma_start3A_485 = tpu.memref_slice %arg3[%dma_start3A_483, %dma_start3A_484] : memref<1000000x16xf32, #tpu.memory_space<hbm>> -> memref<1000000x16xf32, #tpu.memory_space<hbm>>
        tpu.enqueue_indirect_dma source(%dma_start3A_485 : memref<1000000x16xf32, #tpu.memory_space<hbm>>) target(%dma_start3A_481 : memref<128x16xf32, #tpu.memory_space<vmem>>) offsets(%dma_start3A_482 : memref<128xi32, #tpu.memory_space<vmem>>) semaphore(%arg8 : memref<!tpu.dma_semaphore, #tpu.memory_space<semaphore_mem>>)
        %mul3A_486 = arith.constant 1024 : i32
        %mul3A_487 = arith.muli %add3A_236, %mul3A_486 : i32
        %add3A_488 = arith.constant 128 : i32
        %add3A_489 = arith.addi %mul3A_487, %add3A_488 : i32
        %dma_start3A_490 = arith.constant 1 : i32
        %dma_start3A_491 = arith.constant 0 : i32
        %dma_start3A_492 = arith.constant 0 : i32
        %dma_start3A_493 = tpu.memref_slice %arg7[%dma_start3A_490, %dma_start3A_491, %dma_start3A_492] : memref<8x128x16xf32, #tpu.memory_space<vmem>> -> memref<1x128x16xf32, #tpu.memory_space<vmem>>
        %dma_start3A_494 = tpu.memref_squeeze %dma_start3A_493 : memref<1x128x16xf32, #tpu.memory_space<vmem>> -> memref<128x16xf32, #tpu.memory_space<vmem>>
        %dma_start3A_495 = tpu.memref_slice %arg5[%add3A_489] : memref<16384xi32, #tpu.memory_space<vmem>> -> memref<128xi32, #tpu.memory_space<vmem>>
        %dma_start3A_496 = arith.constant 0 : i32
        %dma_start3A_497 = arith.constant 0 : i32
        %dma_start3A_498 = tpu.memref_slice %arg3[%dma_start3A_496, %dma_start3A_497] : memref<1000000x16xf32, #tpu.memory_space<hbm>> -> memref<1000000x16xf32, #tpu.memory_space<hbm>>
        tpu.enqueue_indirect_dma source(%dma_start3A_498 : memref<1000000x16xf32, #tpu.memory_space<hbm>>) target(%dma_start3A_494 : memref<128x16xf32, #tpu.memory_space<vmem>>) offsets(%dma_start3A_495 : memref<128xi32, #tpu.memory_space<vmem>>) semaphore(%arg8 : memref<!tpu.dma_semaphore, #tpu.memory_space<semaphore_mem>>)
        %mul3A_499 = arith.constant 1024 : i32
        %mul3A_500 = arith.muli %add3A_236, %mul3A_499 : i32
        %add3A_501 = arith.constant 256 : i32
        %add3A_502 = arith.addi %mul3A_500, %add3A_501 : i32
        %dma_start3A_503 = arith.constant 2 : i32
        %dma_start3A_504 = arith.constant 0 : i32
        %dma_start3A_505 = arith.constant 0 : i32
        %dma_start3A_506 = tpu.memref_slice %arg7[%dma_start3A_503, %dma_start3A_504, %dma_start3A_505] : memref<8x128x16xf32, #tpu.memory_space<vmem>> -> memref<1x128x16xf32, #tpu.memory_space<vmem>>
        %dma_start3A_507 = tpu.memref_squeeze %dma_start3A_506 : memref<1x128x16xf32, #tpu.memory_space<vmem>> -> memref<128x16xf32, #tpu.memory_space<vmem>>
        %dma_start3A_508 = tpu.memref_slice %arg5[%add3A_502] : memref<16384xi32, #tpu.memory_space<vmem>> -> memref<128xi32, #tpu.memory_space<vmem>>
        %dma_start3A_509 = arith.constant 0 : i32
        %dma_start3A_510 = arith.constant 0 : i32
        %dma_start3A_511 = tpu.memref_slice %arg3[%dma_start3A_509, %dma_start3A_510] : memref<1000000x16xf32, #tpu.memory_space<hbm>> -> memref<1000000x16xf32, #tpu.memory_space<hbm>>
        tpu.enqueue_indirect_dma source(%dma_start3A_511 : memref<1000000x16xf32, #tpu.memory_space<hbm>>) target(%dma_start3A_507 : memref<128x16xf32, #tpu.memory_space<vmem>>) offsets(%dma_start3A_508 : memref<128xi32, #tpu.memory_space<vmem>>) semaphore(%arg8 : memref<!tpu.dma_semaphore, #tpu.memory_space<semaphore_mem>>)
        %mul3A_512 = arith.constant 1024 : i32
        %mul3A_513 = arith.muli %add3A_236, %mul3A_512 : i32
        %add3A_514 = arith.constant 384 : i32
        %add3A_515 = arith.addi %mul3A_513, %add3A_514 : i32
        %dma_start3A_516 = arith.constant 3 : i32
        %dma_start3A_517 = arith.constant 0 : i32
        %dma_start3A_518 = arith.constant 0 : i32
        %dma_start3A_519 = tpu.memref_slice %arg7[%dma_start3A_516, %dma_start3A_517, %dma_start3A_518] : memref<8x128x16xf32, #tpu.memory_space<vmem>> -> memref<1x128x16xf32, #tpu.memory_space<vmem>>
        %dma_start3A_520 = tpu.memref_squeeze %dma_start3A_519 : memref<1x128x16xf32, #tpu.memory_space<vmem>> -> memref<128x16xf32, #tpu.memory_space<vmem>>
        %dma_start3A_521 = tpu.memref_slice %arg5[%add3A_515] : memref<16384xi32, #tpu.memory_space<vmem>> -> memref<128xi32, #tpu.memory_space<vmem>>
        %dma_start3A_522 = arith.constant 0 : i32
        %dma_start3A_523 = arith.constant 0 : i32
        %dma_start3A_524 = tpu.memref_slice %arg3[%dma_start3A_522, %dma_start3A_523] : memref<1000000x16xf32, #tpu.memory_space<hbm>> -> memref<1000000x16xf32, #tpu.memory_space<hbm>>
        tpu.enqueue_indirect_dma source(%dma_start3A_524 : memref<1000000x16xf32, #tpu.memory_space<hbm>>) target(%dma_start3A_520 : memref<128x16xf32, #tpu.memory_space<vmem>>) offsets(%dma_start3A_521 : memref<128xi32, #tpu.memory_space<vmem>>) semaphore(%arg8 : memref<!tpu.dma_semaphore, #tpu.memory_space<semaphore_mem>>)
        %mul3A_525 = arith.constant 1024 : i32
        %mul3A_526 = arith.muli %add3A_236, %mul3A_525 : i32
        %add3A_527 = arith.constant 512 : i32
        %add3A_528 = arith.addi %mul3A_526, %add3A_527 : i32
        %dma_start3A_529 = arith.constant 4 : i32
        %dma_start3A_530 = arith.constant 0 : i32
        %dma_start3A_531 = arith.constant 0 : i32
        %dma_start3A_532 = tpu.memref_slice %arg7[%dma_start3A_529, %dma_start3A_530, %dma_start3A_531] : memref<8x128x16xf32, #tpu.memory_space<vmem>> -> memref<1x128x16xf32, #tpu.memory_space<vmem>>
        %dma_start3A_533 = tpu.memref_squeeze %dma_start3A_532 : memref<1x128x16xf32, #tpu.memory_space<vmem>> -> memref<128x16xf32, #tpu.memory_space<vmem>>
        %dma_start3A_534 = tpu.memref_slice %arg5[%add3A_528] : memref<16384xi32, #tpu.memory_space<vmem>> -> memref<128xi32, #tpu.memory_space<vmem>>
        %dma_start3A_535 = arith.constant 0 : i32
        %dma_start3A_536 = arith.constant 0 : i32
        %dma_start3A_537 = tpu.memref_slice %arg3[%dma_start3A_535, %dma_start3A_536] : memref<1000000x16xf32, #tpu.memory_space<hbm>> -> memref<1000000x16xf32, #tpu.memory_space<hbm>>
        tpu.enqueue_indirect_dma source(%dma_start3A_537 : memref<1000000x16xf32, #tpu.memory_space<hbm>>) target(%dma_start3A_533 : memref<128x16xf32, #tpu.memory_space<vmem>>) offsets(%dma_start3A_534 : memref<128xi32, #tpu.memory_space<vmem>>) semaphore(%arg8 : memref<!tpu.dma_semaphore, #tpu.memory_space<semaphore_mem>>)
        %mul3A_538 = arith.constant 1024 : i32
        %mul3A_539 = arith.muli %add3A_236, %mul3A_538 : i32
        %add3A_540 = arith.constant 640 : i32
        %add3A_541 = arith.addi %mul3A_539, %add3A_540 : i32
        %dma_start3A_542 = arith.constant 5 : i32
        %dma_start3A_543 = arith.constant 0 : i32
        %dma_start3A_544 = arith.constant 0 : i32
        %dma_start3A_545 = tpu.memref_slice %arg7[%dma_start3A_542, %dma_start3A_543, %dma_start3A_544] : memref<8x128x16xf32, #tpu.memory_space<vmem>> -> memref<1x128x16xf32, #tpu.memory_space<vmem>>
        %dma_start3A_546 = tpu.memref_squeeze %dma_start3A_545 : memref<1x128x16xf32, #tpu.memory_space<vmem>> -> memref<128x16xf32, #tpu.memory_space<vmem>>
        %dma_start3A_547 = tpu.memref_slice %arg5[%add3A_541] : memref<16384xi32, #tpu.memory_space<vmem>> -> memref<128xi32, #tpu.memory_space<vmem>>
        %dma_start3A_548 = arith.constant 0 : i32
        %dma_start3A_549 = arith.constant 0 : i32
        %dma_start3A_550 = tpu.memref_slice %arg3[%dma_start3A_548, %dma_start3A_549] : memref<1000000x16xf32, #tpu.memory_space<hbm>> -> memref<1000000x16xf32, #tpu.memory_space<hbm>>
        tpu.enqueue_indirect_dma source(%dma_start3A_550 : memref<1000000x16xf32, #tpu.memory_space<hbm>>) target(%dma_start3A_546 : memref<128x16xf32, #tpu.memory_space<vmem>>) offsets(%dma_start3A_547 : memref<128xi32, #tpu.memory_space<vmem>>) semaphore(%arg8 : memref<!tpu.dma_semaphore, #tpu.memory_space<semaphore_mem>>)
        %mul3A_551 = arith.constant 1024 : i32
        %mul3A_552 = arith.muli %add3A_236, %mul3A_551 : i32
        %add3A_553 = arith.constant 768 : i32
        %add3A_554 = arith.addi %mul3A_552, %add3A_553 : i32
        %dma_start3A_555 = arith.constant 6 : i32
        %dma_start3A_556 = arith.constant 0 : i32
        %dma_start3A_557 = arith.constant 0 : i32
        %dma_start3A_558 = tpu.memref_slice %arg7[%dma_start3A_555, %dma_start3A_556, %dma_start3A_557] : memref<8x128x16xf32, #tpu.memory_space<vmem>> -> memref<1x128x16xf32, #tpu.memory_space<vmem>>
        %dma_start3A_559 = tpu.memref_squeeze %dma_start3A_558 : memref<1x128x16xf32, #tpu.memory_space<vmem>> -> memref<128x16xf32, #tpu.memory_space<vmem>>
        %dma_start3A_560 = tpu.memref_slice %arg5[%add3A_554] : memref<16384xi32, #tpu.memory_space<vmem>> -> memref<128xi32, #tpu.memory_space<vmem>>
        %dma_start3A_561 = arith.constant 0 : i32
        %dma_start3A_562 = arith.constant 0 : i32
        %dma_start3A_563 = tpu.memref_slice %arg3[%dma_start3A_561, %dma_start3A_562] : memref<1000000x16xf32, #tpu.memory_space<hbm>> -> memref<1000000x16xf32, #tpu.memory_space<hbm>>
        tpu.enqueue_indirect_dma source(%dma_start3A_563 : memref<1000000x16xf32, #tpu.memory_space<hbm>>) target(%dma_start3A_559 : memref<128x16xf32, #tpu.memory_space<vmem>>) offsets(%dma_start3A_560 : memref<128xi32, #tpu.memory_space<vmem>>) semaphore(%arg8 : memref<!tpu.dma_semaphore, #tpu.memory_space<semaphore_mem>>)
        %mul3A_564 = arith.constant 1024 : i32
        %mul3A_565 = arith.muli %add3A_236, %mul3A_564 : i32
        %add3A_566 = arith.constant 896 : i32
        %add3A_567 = arith.addi %mul3A_565, %add3A_566 : i32
        %dma_start3A_568 = arith.constant 7 : i32
        %dma_start3A_569 = arith.constant 0 : i32
        %dma_start3A_570 = arith.constant 0 : i32
        %dma_start3A_571 = tpu.memref_slice %arg7[%dma_start3A_568, %dma_start3A_569, %dma_start3A_570] : memref<8x128x16xf32, #tpu.memory_space<vmem>> -> memref<1x128x16xf32, #tpu.memory_space<vmem>>
        %dma_start3A_572 = tpu.memref_squeeze %dma_start3A_571 : memref<1x128x16xf32, #tpu.memory_space<vmem>> -> memref<128x16xf32, #tpu.memory_space<vmem>>
        %dma_start3A_573 = tpu.memref_slice %arg5[%add3A_567] : memref<16384xi32, #tpu.memory_space<vmem>> -> memref<128xi32, #tpu.memory_space<vmem>>
        %dma_start3A_574 = arith.constant 0 : i32
        %dma_start3A_575 = arith.constant 0 : i32
        %dma_start3A_576 = tpu.memref_slice %arg3[%dma_start3A_574, %dma_start3A_575] : memref<1000000x16xf32, #tpu.memory_space<hbm>> -> memref<1000000x16xf32, #tpu.memory_space<hbm>>
        tpu.enqueue_indirect_dma source(%dma_start3A_576 : memref<1000000x16xf32, #tpu.memory_space<hbm>>) target(%dma_start3A_572 : memref<128x16xf32, #tpu.memory_space<vmem>>) offsets(%dma_start3A_573 : memref<128xi32, #tpu.memory_space<vmem>>) semaphore(%arg8 : memref<!tpu.dma_semaphore, #tpu.memory_space<semaphore_mem>>)
        %dma_wait3A_577 = arith.constant 0 : i32
        %dma_wait3A_578 = arith.constant 0 : i32
        %dma_wait3A_579 = arith.constant 0 : i32
        %dma_wait3A_580 = tpu.memref_slice %arg7[%dma_wait3A_577, %dma_wait3A_578, %dma_wait3A_579] : memref<8x128x16xf32, #tpu.memory_space<vmem>> -> memref<1x128x16xf32, #tpu.memory_space<vmem>>
        %dma_wait3A_581 = tpu.memref_squeeze %dma_wait3A_580 : memref<1x128x16xf32, #tpu.memory_space<vmem>> -> memref<128x16xf32, #tpu.memory_space<vmem>>
        %dma_wait3A_582 = arith.constant 0 : i32
        %dma_wait3A_583 = tpu.memref_slice %arg5[%dma_wait3A_582] : memref<16384xi32, #tpu.memory_space<vmem>> -> memref<128xi32, #tpu.memory_space<vmem>>
        %dma_wait3A_584 = arith.constant 0 : i32
        %dma_wait3A_585 = arith.constant 0 : i32
        %dma_wait3A_586 = tpu.memref_slice %arg3[%dma_wait3A_584, %dma_wait3A_585] : memref<1000000x16xf32, #tpu.memory_space<hbm>> -> memref<1000000x16xf32, #tpu.memory_space<hbm>>
        tpu.wait_indirect_dma semaphore(%arg8 : memref<!tpu.dma_semaphore, #tpu.memory_space<semaphore_mem>>) src(%dma_wait3A_586 : memref<1000000x16xf32, #tpu.memory_space<hbm>>) dst(%dma_wait3A_581 : memref<128x16xf32, #tpu.memory_space<vmem>>)
        %dma_wait3A_587 = arith.constant 1 : i32
        %dma_wait3A_588 = arith.constant 0 : i32
        %dma_wait3A_589 = arith.constant 0 : i32
        %dma_wait3A_590 = tpu.memref_slice %arg7[%dma_wait3A_587, %dma_wait3A_588, %dma_wait3A_589] : memref<8x128x16xf32, #tpu.memory_space<vmem>> -> memref<1x128x16xf32, #tpu.memory_space<vmem>>
        %dma_wait3A_591 = tpu.memref_squeeze %dma_wait3A_590 : memref<1x128x16xf32, #tpu.memory_space<vmem>> -> memref<128x16xf32, #tpu.memory_space<vmem>>
        %dma_wait3A_592 = arith.constant 0 : i32
        %dma_wait3A_593 = tpu.memref_slice %arg5[%dma_wait3A_592] : memref<16384xi32, #tpu.memory_space<vmem>> -> memref<128xi32, #tpu.memory_space<vmem>>
        %dma_wait3A_594 = arith.constant 0 : i32
        %dma_wait3A_595 = arith.constant 0 : i32
        %dma_wait3A_596 = tpu.memref_slice %arg3[%dma_wait3A_594, %dma_wait3A_595] : memref<1000000x16xf32, #tpu.memory_space<hbm>> -> memref<1000000x16xf32, #tpu.memory_space<hbm>>
        tpu.wait_indirect_dma semaphore(%arg8 : memref<!tpu.dma_semaphore, #tpu.memory_space<semaphore_mem>>) src(%dma_wait3A_596 : memref<1000000x16xf32, #tpu.memory_space<hbm>>) dst(%dma_wait3A_591 : memref<128x16xf32, #tpu.memory_space<vmem>>)
        %dma_wait3A_597 = arith.constant 2 : i32
        %dma_wait3A_598 = arith.constant 0 : i32
        %dma_wait3A_599 = arith.constant 0 : i32
        %dma_wait3A_600 = tpu.memref_slice %arg7[%dma_wait3A_597, %dma_wait3A_598, %dma_wait3A_599] : memref<8x128x16xf32, #tpu.memory_space<vmem>> -> memref<1x128x16xf32, #tpu.memory_space<vmem>>
        %dma_wait3A_601 = tpu.memref_squeeze %dma_wait3A_600 : memref<1x128x16xf32, #tpu.memory_space<vmem>> -> memref<128x16xf32, #tpu.memory_space<vmem>>
        %dma_wait3A_602 = arith.constant 0 : i32
        %dma_wait3A_603 = tpu.memref_slice %arg5[%dma_wait3A_602] : memref<16384xi32, #tpu.memory_space<vmem>> -> memref<128xi32, #tpu.memory_space<vmem>>
        %dma_wait3A_604 = arith.constant 0 : i32
        %dma_wait3A_605 = arith.constant 0 : i32
        %dma_wait3A_606 = tpu.memref_slice %arg3[%dma_wait3A_604, %dma_wait3A_605] : memref<1000000x16xf32, #tpu.memory_space<hbm>> -> memref<1000000x16xf32, #tpu.memory_space<hbm>>
        tpu.wait_indirect_dma semaphore(%arg8 : memref<!tpu.dma_semaphore, #tpu.memory_space<semaphore_mem>>) src(%dma_wait3A_606 : memref<1000000x16xf32, #tpu.memory_space<hbm>>) dst(%dma_wait3A_601 : memref<128x16xf32, #tpu.memory_space<vmem>>)
        %dma_wait3A_607 = arith.constant 3 : i32
        %dma_wait3A_608 = arith.constant 0 : i32
        %dma_wait3A_609 = arith.constant 0 : i32
        %dma_wait3A_610 = tpu.memref_slice %arg7[%dma_wait3A_607, %dma_wait3A_608, %dma_wait3A_609] : memref<8x128x16xf32, #tpu.memory_space<vmem>> -> memref<1x128x16xf32, #tpu.memory_space<vmem>>
        %dma_wait3A_611 = tpu.memref_squeeze %dma_wait3A_610 : memref<1x128x16xf32, #tpu.memory_space<vmem>> -> memref<128x16xf32, #tpu.memory_space<vmem>>
        %dma_wait3A_612 = arith.constant 0 : i32
        %dma_wait3A_613 = tpu.memref_slice %arg5[%dma_wait3A_612] : memref<16384xi32, #tpu.memory_space<vmem>> -> memref<128xi32, #tpu.memory_space<vmem>>
        %dma_wait3A_614 = arith.constant 0 : i32
        %dma_wait3A_615 = arith.constant 0 : i32
        %dma_wait3A_616 = tpu.memref_slice %arg3[%dma_wait3A_614, %dma_wait3A_615] : memref<1000000x16xf32, #tpu.memory_space<hbm>> -> memref<1000000x16xf32, #tpu.memory_space<hbm>>
        tpu.wait_indirect_dma semaphore(%arg8 : memref<!tpu.dma_semaphore, #tpu.memory_space<semaphore_mem>>) src(%dma_wait3A_616 : memref<1000000x16xf32, #tpu.memory_space<hbm>>) dst(%dma_wait3A_611 : memref<128x16xf32, #tpu.memory_space<vmem>>)
        %dma_wait3A_617 = arith.constant 4 : i32
        %dma_wait3A_618 = arith.constant 0 : i32
        %dma_wait3A_619 = arith.constant 0 : i32
        %dma_wait3A_620 = tpu.memref_slice %arg7[%dma_wait3A_617, %dma_wait3A_618, %dma_wait3A_619] : memref<8x128x16xf32, #tpu.memory_space<vmem>> -> memref<1x128x16xf32, #tpu.memory_space<vmem>>
        %dma_wait3A_621 = tpu.memref_squeeze %dma_wait3A_620 : memref<1x128x16xf32, #tpu.memory_space<vmem>> -> memref<128x16xf32, #tpu.memory_space<vmem>>
        %dma_wait3A_622 = arith.constant 0 : i32
        %dma_wait3A_623 = tpu.memref_slice %arg5[%dma_wait3A_622] : memref<16384xi32, #tpu.memory_space<vmem>> -> memref<128xi32, #tpu.memory_space<vmem>>
        %dma_wait3A_624 = arith.constant 0 : i32
        %dma_wait3A_625 = arith.constant 0 : i32
        %dma_wait3A_626 = tpu.memref_slice %arg3[%dma_wait3A_624, %dma_wait3A_625] : memref<1000000x16xf32, #tpu.memory_space<hbm>> -> memref<1000000x16xf32, #tpu.memory_space<hbm>>
        tpu.wait_indirect_dma semaphore(%arg8 : memref<!tpu.dma_semaphore, #tpu.memory_space<semaphore_mem>>) src(%dma_wait3A_626 : memref<1000000x16xf32, #tpu.memory_space<hbm>>) dst(%dma_wait3A_621 : memref<128x16xf32, #tpu.memory_space<vmem>>)
        %dma_wait3A_627 = arith.constant 5 : i32
        %dma_wait3A_628 = arith.constant 0 : i32
        %dma_wait3A_629 = arith.constant 0 : i32
        %dma_wait3A_630 = tpu.memref_slice %arg7[%dma_wait3A_627, %dma_wait3A_628, %dma_wait3A_629] : memref<8x128x16xf32, #tpu.memory_space<vmem>> -> memref<1x128x16xf32, #tpu.memory_space<vmem>>
        %dma_wait3A_631 = tpu.memref_squeeze %dma_wait3A_630 : memref<1x128x16xf32, #tpu.memory_space<vmem>> -> memref<128x16xf32, #tpu.memory_space<vmem>>
        %dma_wait3A_632 = arith.constant 0 : i32
        %dma_wait3A_633 = tpu.memref_slice %arg5[%dma_wait3A_632] : memref<16384xi32, #tpu.memory_space<vmem>> -> memref<128xi32, #tpu.memory_space<vmem>>
        %dma_wait3A_634 = arith.constant 0 : i32
        %dma_wait3A_635 = arith.constant 0 : i32
        %dma_wait3A_636 = tpu.memref_slice %arg3[%dma_wait3A_634, %dma_wait3A_635] : memref<1000000x16xf32, #tpu.memory_space<hbm>> -> memref<1000000x16xf32, #tpu.memory_space<hbm>>
        tpu.wait_indirect_dma semaphore(%arg8 : memref<!tpu.dma_semaphore, #tpu.memory_space<semaphore_mem>>) src(%dma_wait3A_636 : memref<1000000x16xf32, #tpu.memory_space<hbm>>) dst(%dma_wait3A_631 : memref<128x16xf32, #tpu.memory_space<vmem>>)
        %dma_wait3A_637 = arith.constant 6 : i32
        %dma_wait3A_638 = arith.constant 0 : i32
        %dma_wait3A_639 = arith.constant 0 : i32
        %dma_wait3A_640 = tpu.memref_slice %arg7[%dma_wait3A_637, %dma_wait3A_638, %dma_wait3A_639] : memref<8x128x16xf32, #tpu.memory_space<vmem>> -> memref<1x128x16xf32, #tpu.memory_space<vmem>>
        %dma_wait3A_641 = tpu.memref_squeeze %dma_wait3A_640 : memref<1x128x16xf32, #tpu.memory_space<vmem>> -> memref<128x16xf32, #tpu.memory_space<vmem>>
        %dma_wait3A_642 = arith.constant 0 : i32
        %dma_wait3A_643 = tpu.memref_slice %arg5[%dma_wait3A_642] : memref<16384xi32, #tpu.memory_space<vmem>> -> memref<128xi32, #tpu.memory_space<vmem>>
        %dma_wait3A_644 = arith.constant 0 : i32
        %dma_wait3A_645 = arith.constant 0 : i32
        %dma_wait3A_646 = tpu.memref_slice %arg3[%dma_wait3A_644, %dma_wait3A_645] : memref<1000000x16xf32, #tpu.memory_space<hbm>> -> memref<1000000x16xf32, #tpu.memory_space<hbm>>
        tpu.wait_indirect_dma semaphore(%arg8 : memref<!tpu.dma_semaphore, #tpu.memory_space<semaphore_mem>>) src(%dma_wait3A_646 : memref<1000000x16xf32, #tpu.memory_space<hbm>>) dst(%dma_wait3A_641 : memref<128x16xf32, #tpu.memory_space<vmem>>)
        %dma_wait3A_647 = arith.constant 7 : i32
        %dma_wait3A_648 = arith.constant 0 : i32
        %dma_wait3A_649 = arith.constant 0 : i32
        %dma_wait3A_650 = tpu.memref_slice %arg7[%dma_wait3A_647, %dma_wait3A_648, %dma_wait3A_649] : memref<8x128x16xf32, #tpu.memory_space<vmem>> -> memref<1x128x16xf32, #tpu.memory_space<vmem>>
        %dma_wait3A_651 = tpu.memref_squeeze %dma_wait3A_650 : memref<1x128x16xf32, #tpu.memory_space<vmem>> -> memref<128x16xf32, #tpu.memory_space<vmem>>
        %dma_wait3A_652 = arith.constant 0 : i32
        %dma_wait3A_653 = tpu.memref_slice %arg5[%dma_wait3A_652] : memref<16384xi32, #tpu.memory_space<vmem>> -> memref<128xi32, #tpu.memory_space<vmem>>
        %dma_wait3A_654 = arith.constant 0 : i32
        %dma_wait3A_655 = arith.constant 0 : i32
        %dma_wait3A_656 = tpu.memref_slice %arg3[%dma_wait3A_654, %dma_wait3A_655] : memref<1000000x16xf32, #tpu.memory_space<hbm>> -> memref<1000000x16xf32, #tpu.memory_space<hbm>>
        tpu.wait_indirect_dma semaphore(%arg8 : memref<!tpu.dma_semaphore, #tpu.memory_space<semaphore_mem>>) src(%dma_wait3A_656 : memref<1000000x16xf32, #tpu.memory_space<hbm>>) dst(%dma_wait3A_651 : memref<128x16xf32, #tpu.memory_space<vmem>>)
        %mul3A_657 = arith.constant 1024 : i32
        %mul3A_658 = arith.muli %add3A_236, %mul3A_657 : i32
        %add3A_659 = arith.constant 0 : i32
        %add3A_660 = arith.addi %mul3A_658, %add3A_659 : i32
        %dma_start3A_661 = arith.constant 0 : i32
        %dma_start3A_662 = arith.constant 0 : i32
        %dma_start3A_663 = arith.constant 0 : i32
        %dma_start3A_664 = tpu.memref_slice %arg7[%dma_start3A_661, %dma_start3A_662, %dma_start3A_663] : memref<8x128x16xf32, #tpu.memory_space<vmem>> -> memref<1x128x16xf32, #tpu.memory_space<vmem>>
        %dma_start3A_665 = tpu.memref_squeeze %dma_start3A_664 : memref<1x128x16xf32, #tpu.memory_space<vmem>> -> memref<128x16xf32, #tpu.memory_space<vmem>>
        %dma_start3A_666 = arith.constant 0 : i32
        %dma_start3A_667 = tpu.memref_slice %arg4[%add3A, %add3A_660, %dma_start3A_666] : memref<26x16384x16xf32, #tpu.memory_space<hbm>> -> memref<1x128x16xf32, #tpu.memory_space<hbm>>
        %dma_start3A_668 = tpu.memref_squeeze %dma_start3A_667 : memref<1x128x16xf32, #tpu.memory_space<hbm>> -> memref<128x16xf32, #tpu.memory_space<hbm>>
        %dma_start3A_669 = arith.constant 0 : i32
        %dma_start3A_670 = tpu.memref_slice %arg4[%add3A, %add3A_660, %dma_start3A_669] : memref<26x16384x16xf32, #tpu.memory_space<hbm>> -> memref<1x128x16xf32, #tpu.memory_space<hbm>>
        %dma_start3A_671 = tpu.memref_squeeze %dma_start3A_670 : memref<1x128x16xf32, #tpu.memory_space<hbm>> -> memref<128x16xf32, #tpu.memory_space<hbm>>
        %dma_start3A_672 = arith.constant 0 : i32
        %dma_start3A_673 = arith.constant 0 : i32
        %dma_start3A_674 = tpu.memref_slice %arg7[%dma_start3A_661, %dma_start3A_672, %dma_start3A_673] : memref<8x128x16xf32, #tpu.memory_space<vmem>> -> memref<1x128x16xf32, #tpu.memory_space<vmem>>
        %dma_start3A_675 = tpu.memref_squeeze %dma_start3A_674 : memref<1x128x16xf32, #tpu.memory_space<vmem>> -> memref<128x16xf32, #tpu.memory_space<vmem>>
        tpu.enqueue_dma source(%dma_start3A_675 : memref<128x16xf32, #tpu.memory_space<vmem>>) target(%dma_start3A_671 : memref<128x16xf32, #tpu.memory_space<hbm>>) target_semaphore(%arg9 : memref<!tpu.dma_semaphore, #tpu.memory_space<semaphore_mem>>)
        %mul3A_676 = arith.constant 1024 : i32
        %mul3A_677 = arith.muli %add3A_236, %mul3A_676 : i32
        %add3A_678 = arith.constant 128 : i32
        %add3A_679 = arith.addi %mul3A_677, %add3A_678 : i32
        %dma_start3A_680 = arith.constant 1 : i32
        %dma_start3A_681 = arith.constant 0 : i32
        %dma_start3A_682 = arith.constant 0 : i32
        %dma_start3A_683 = tpu.memref_slice %arg7[%dma_start3A_680, %dma_start3A_681, %dma_start3A_682] : memref<8x128x16xf32, #tpu.memory_space<vmem>> -> memref<1x128x16xf32, #tpu.memory_space<vmem>>
        %dma_start3A_684 = tpu.memref_squeeze %dma_start3A_683 : memref<1x128x16xf32, #tpu.memory_space<vmem>> -> memref<128x16xf32, #tpu.memory_space<vmem>>
        %dma_start3A_685 = arith.constant 0 : i32
        %dma_start3A_686 = tpu.memref_slice %arg4[%add3A, %add3A_679, %dma_start3A_685] : memref<26x16384x16xf32, #tpu.memory_space<hbm>> -> memref<1x128x16xf32, #tpu.memory_space<hbm>>
        %dma_start3A_687 = tpu.memref_squeeze %dma_start3A_686 : memref<1x128x16xf32, #tpu.memory_space<hbm>> -> memref<128x16xf32, #tpu.memory_space<hbm>>
        %dma_start3A_688 = arith.constant 0 : i32
        %dma_start3A_689 = tpu.memref_slice %arg4[%add3A, %add3A_679, %dma_start3A_688] : memref<26x16384x16xf32, #tpu.memory_space<hbm>> -> memref<1x128x16xf32, #tpu.memory_space<hbm>>
        %dma_start3A_690 = tpu.memref_squeeze %dma_start3A_689 : memref<1x128x16xf32, #tpu.memory_space<hbm>> -> memref<128x16xf32, #tpu.memory_space<hbm>>
        %dma_start3A_691 = arith.constant 0 : i32
        %dma_start3A_692 = arith.constant 0 : i32
        %dma_start3A_693 = tpu.memref_slice %arg7[%dma_start3A_680, %dma_start3A_691, %dma_start3A_692] : memref<8x128x16xf32, #tpu.memory_space<vmem>> -> memref<1x128x16xf32, #tpu.memory_space<vmem>>
        %dma_start3A_694 = tpu.memref_squeeze %dma_start3A_693 : memref<1x128x16xf32, #tpu.memory_space<vmem>> -> memref<128x16xf32, #tpu.memory_space<vmem>>
        tpu.enqueue_dma source(%dma_start3A_694 : memref<128x16xf32, #tpu.memory_space<vmem>>) target(%dma_start3A_690 : memref<128x16xf32, #tpu.memory_space<hbm>>) target_semaphore(%arg9 : memref<!tpu.dma_semaphore, #tpu.memory_space<semaphore_mem>>)
        %mul3A_695 = arith.constant 1024 : i32
        %mul3A_696 = arith.muli %add3A_236, %mul3A_695 : i32
        %add3A_697 = arith.constant 256 : i32
        %add3A_698 = arith.addi %mul3A_696, %add3A_697 : i32
        %dma_start3A_699 = arith.constant 2 : i32
        %dma_start3A_700 = arith.constant 0 : i32
        %dma_start3A_701 = arith.constant 0 : i32
        %dma_start3A_702 = tpu.memref_slice %arg7[%dma_start3A_699, %dma_start3A_700, %dma_start3A_701] : memref<8x128x16xf32, #tpu.memory_space<vmem>> -> memref<1x128x16xf32, #tpu.memory_space<vmem>>
        %dma_start3A_703 = tpu.memref_squeeze %dma_start3A_702 : memref<1x128x16xf32, #tpu.memory_space<vmem>> -> memref<128x16xf32, #tpu.memory_space<vmem>>
        %dma_start3A_704 = arith.constant 0 : i32
        %dma_start3A_705 = tpu.memref_slice %arg4[%add3A, %add3A_698, %dma_start3A_704] : memref<26x16384x16xf32, #tpu.memory_space<hbm>> -> memref<1x128x16xf32, #tpu.memory_space<hbm>>
        %dma_start3A_706 = tpu.memref_squeeze %dma_start3A_705 : memref<1x128x16xf32, #tpu.memory_space<hbm>> -> memref<128x16xf32, #tpu.memory_space<hbm>>
        %dma_start3A_707 = arith.constant 0 : i32
        %dma_start3A_708 = tpu.memref_slice %arg4[%add3A, %add3A_698, %dma_start3A_707] : memref<26x16384x16xf32, #tpu.memory_space<hbm>> -> memref<1x128x16xf32, #tpu.memory_space<hbm>>
        %dma_start3A_709 = tpu.memref_squeeze %dma_start3A_708 : memref<1x128x16xf32, #tpu.memory_space<hbm>> -> memref<128x16xf32, #tpu.memory_space<hbm>>
        %dma_start3A_710 = arith.constant 0 : i32
        %dma_start3A_711 = arith.constant 0 : i32
        %dma_start3A_712 = tpu.memref_slice %arg7[%dma_start3A_699, %dma_start3A_710, %dma_start3A_711] : memref<8x128x16xf32, #tpu.memory_space<vmem>> -> memref<1x128x16xf32, #tpu.memory_space<vmem>>
        %dma_start3A_713 = tpu.memref_squeeze %dma_start3A_712 : memref<1x128x16xf32, #tpu.memory_space<vmem>> -> memref<128x16xf32, #tpu.memory_space<vmem>>
        tpu.enqueue_dma source(%dma_start3A_713 : memref<128x16xf32, #tpu.memory_space<vmem>>) target(%dma_start3A_709 : memref<128x16xf32, #tpu.memory_space<hbm>>) target_semaphore(%arg9 : memref<!tpu.dma_semaphore, #tpu.memory_space<semaphore_mem>>)
        %mul3A_714 = arith.constant 1024 : i32
        %mul3A_715 = arith.muli %add3A_236, %mul3A_714 : i32
        %add3A_716 = arith.constant 384 : i32
        %add3A_717 = arith.addi %mul3A_715, %add3A_716 : i32
        %dma_start3A_718 = arith.constant 3 : i32
        %dma_start3A_719 = arith.constant 0 : i32
        %dma_start3A_720 = arith.constant 0 : i32
        %dma_start3A_721 = tpu.memref_slice %arg7[%dma_start3A_718, %dma_start3A_719, %dma_start3A_720] : memref<8x128x16xf32, #tpu.memory_space<vmem>> -> memref<1x128x16xf32, #tpu.memory_space<vmem>>
        %dma_start3A_722 = tpu.memref_squeeze %dma_start3A_721 : memref<1x128x16xf32, #tpu.memory_space<vmem>> -> memref<128x16xf32, #tpu.memory_space<vmem>>
        %dma_start3A_723 = arith.constant 0 : i32
        %dma_start3A_724 = tpu.memref_slice %arg4[%add3A, %add3A_717, %dma_start3A_723] : memref<26x16384x16xf32, #tpu.memory_space<hbm>> -> memref<1x128x16xf32, #tpu.memory_space<hbm>>
        %dma_start3A_725 = tpu.memref_squeeze %dma_start3A_724 : memref<1x128x16xf32, #tpu.memory_space<hbm>> -> memref<128x16xf32, #tpu.memory_space<hbm>>
        %dma_start3A_726 = arith.constant 0 : i32
        %dma_start3A_727 = tpu.memref_slice %arg4[%add3A, %add3A_717, %dma_start3A_726] : memref<26x16384x16xf32, #tpu.memory_space<hbm>> -> memref<1x128x16xf32, #tpu.memory_space<hbm>>
        %dma_start3A_728 = tpu.memref_squeeze %dma_start3A_727 : memref<1x128x16xf32, #tpu.memory_space<hbm>> -> memref<128x16xf32, #tpu.memory_space<hbm>>
        %dma_start3A_729 = arith.constant 0 : i32
        %dma_start3A_730 = arith.constant 0 : i32
        %dma_start3A_731 = tpu.memref_slice %arg7[%dma_start3A_718, %dma_start3A_729, %dma_start3A_730] : memref<8x128x16xf32, #tpu.memory_space<vmem>> -> memref<1x128x16xf32, #tpu.memory_space<vmem>>
        %dma_start3A_732 = tpu.memref_squeeze %dma_start3A_731 : memref<1x128x16xf32, #tpu.memory_space<vmem>> -> memref<128x16xf32, #tpu.memory_space<vmem>>
        tpu.enqueue_dma source(%dma_start3A_732 : memref<128x16xf32, #tpu.memory_space<vmem>>) target(%dma_start3A_728 : memref<128x16xf32, #tpu.memory_space<hbm>>) target_semaphore(%arg9 : memref<!tpu.dma_semaphore, #tpu.memory_space<semaphore_mem>>)
        %mul3A_733 = arith.constant 1024 : i32
        %mul3A_734 = arith.muli %add3A_236, %mul3A_733 : i32
        %add3A_735 = arith.constant 512 : i32
        %add3A_736 = arith.addi %mul3A_734, %add3A_735 : i32
        %dma_start3A_737 = arith.constant 4 : i32
        %dma_start3A_738 = arith.constant 0 : i32
        %dma_start3A_739 = arith.constant 0 : i32
        %dma_start3A_740 = tpu.memref_slice %arg7[%dma_start3A_737, %dma_start3A_738, %dma_start3A_739] : memref<8x128x16xf32, #tpu.memory_space<vmem>> -> memref<1x128x16xf32, #tpu.memory_space<vmem>>
        %dma_start3A_741 = tpu.memref_squeeze %dma_start3A_740 : memref<1x128x16xf32, #tpu.memory_space<vmem>> -> memref<128x16xf32, #tpu.memory_space<vmem>>
        %dma_start3A_742 = arith.constant 0 : i32
        %dma_start3A_743 = tpu.memref_slice %arg4[%add3A, %add3A_736, %dma_start3A_742] : memref<26x16384x16xf32, #tpu.memory_space<hbm>> -> memref<1x128x16xf32, #tpu.memory_space<hbm>>
        %dma_start3A_744 = tpu.memref_squeeze %dma_start3A_743 : memref<1x128x16xf32, #tpu.memory_space<hbm>> -> memref<128x16xf32, #tpu.memory_space<hbm>>
        %dma_start3A_745 = arith.constant 0 : i32
        %dma_start3A_746 = tpu.memref_slice %arg4[%add3A, %add3A_736, %dma_start3A_745] : memref<26x16384x16xf32, #tpu.memory_space<hbm>> -> memref<1x128x16xf32, #tpu.memory_space<hbm>>
        %dma_start3A_747 = tpu.memref_squeeze %dma_start3A_746 : memref<1x128x16xf32, #tpu.memory_space<hbm>> -> memref<128x16xf32, #tpu.memory_space<hbm>>
        %dma_start3A_748 = arith.constant 0 : i32
        %dma_start3A_749 = arith.constant 0 : i32
        %dma_start3A_750 = tpu.memref_slice %arg7[%dma_start3A_737, %dma_start3A_748, %dma_start3A_749] : memref<8x128x16xf32, #tpu.memory_space<vmem>> -> memref<1x128x16xf32, #tpu.memory_space<vmem>>
        %dma_start3A_751 = tpu.memref_squeeze %dma_start3A_750 : memref<1x128x16xf32, #tpu.memory_space<vmem>> -> memref<128x16xf32, #tpu.memory_space<vmem>>
        tpu.enqueue_dma source(%dma_start3A_751 : memref<128x16xf32, #tpu.memory_space<vmem>>) target(%dma_start3A_747 : memref<128x16xf32, #tpu.memory_space<hbm>>) target_semaphore(%arg9 : memref<!tpu.dma_semaphore, #tpu.memory_space<semaphore_mem>>)
        %mul3A_752 = arith.constant 1024 : i32
        %mul3A_753 = arith.muli %add3A_236, %mul3A_752 : i32
        %add3A_754 = arith.constant 640 : i32
        %add3A_755 = arith.addi %mul3A_753, %add3A_754 : i32
        %dma_start3A_756 = arith.constant 5 : i32
        %dma_start3A_757 = arith.constant 0 : i32
        %dma_start3A_758 = arith.constant 0 : i32
        %dma_start3A_759 = tpu.memref_slice %arg7[%dma_start3A_756, %dma_start3A_757, %dma_start3A_758] : memref<8x128x16xf32, #tpu.memory_space<vmem>> -> memref<1x128x16xf32, #tpu.memory_space<vmem>>
        %dma_start3A_760 = tpu.memref_squeeze %dma_start3A_759 : memref<1x128x16xf32, #tpu.memory_space<vmem>> -> memref<128x16xf32, #tpu.memory_space<vmem>>
        %dma_start3A_761 = arith.constant 0 : i32
        %dma_start3A_762 = tpu.memref_slice %arg4[%add3A, %add3A_755, %dma_start3A_761] : memref<26x16384x16xf32, #tpu.memory_space<hbm>> -> memref<1x128x16xf32, #tpu.memory_space<hbm>>
        %dma_start3A_763 = tpu.memref_squeeze %dma_start3A_762 : memref<1x128x16xf32, #tpu.memory_space<hbm>> -> memref<128x16xf32, #tpu.memory_space<hbm>>
        %dma_start3A_764 = arith.constant 0 : i32
        %dma_start3A_765 = tpu.memref_slice %arg4[%add3A, %add3A_755, %dma_start3A_764] : memref<26x16384x16xf32, #tpu.memory_space<hbm>> -> memref<1x128x16xf32, #tpu.memory_space<hbm>>
        %dma_start3A_766 = tpu.memref_squeeze %dma_start3A_765 : memref<1x128x16xf32, #tpu.memory_space<hbm>> -> memref<128x16xf32, #tpu.memory_space<hbm>>
        %dma_start3A_767 = arith.constant 0 : i32
        %dma_start3A_768 = arith.constant 0 : i32
        %dma_start3A_769 = tpu.memref_slice %arg7[%dma_start3A_756, %dma_start3A_767, %dma_start3A_768] : memref<8x128x16xf32, #tpu.memory_space<vmem>> -> memref<1x128x16xf32, #tpu.memory_space<vmem>>
        %dma_start3A_770 = tpu.memref_squeeze %dma_start3A_769 : memref<1x128x16xf32, #tpu.memory_space<vmem>> -> memref<128x16xf32, #tpu.memory_space<vmem>>
        tpu.enqueue_dma source(%dma_start3A_770 : memref<128x16xf32, #tpu.memory_space<vmem>>) target(%dma_start3A_766 : memref<128x16xf32, #tpu.memory_space<hbm>>) target_semaphore(%arg9 : memref<!tpu.dma_semaphore, #tpu.memory_space<semaphore_mem>>)
        %mul3A_771 = arith.constant 1024 : i32
        %mul3A_772 = arith.muli %add3A_236, %mul3A_771 : i32
        %add3A_773 = arith.constant 768 : i32
        %add3A_774 = arith.addi %mul3A_772, %add3A_773 : i32
        %dma_start3A_775 = arith.constant 6 : i32
        %dma_start3A_776 = arith.constant 0 : i32
        %dma_start3A_777 = arith.constant 0 : i32
        %dma_start3A_778 = tpu.memref_slice %arg7[%dma_start3A_775, %dma_start3A_776, %dma_start3A_777] : memref<8x128x16xf32, #tpu.memory_space<vmem>> -> memref<1x128x16xf32, #tpu.memory_space<vmem>>
        %dma_start3A_779 = tpu.memref_squeeze %dma_start3A_778 : memref<1x128x16xf32, #tpu.memory_space<vmem>> -> memref<128x16xf32, #tpu.memory_space<vmem>>
        %dma_start3A_780 = arith.constant 0 : i32
        %dma_start3A_781 = tpu.memref_slice %arg4[%add3A, %add3A_774, %dma_start3A_780] : memref<26x16384x16xf32, #tpu.memory_space<hbm>> -> memref<1x128x16xf32, #tpu.memory_space<hbm>>
        %dma_start3A_782 = tpu.memref_squeeze %dma_start3A_781 : memref<1x128x16xf32, #tpu.memory_space<hbm>> -> memref<128x16xf32, #tpu.memory_space<hbm>>
        %dma_start3A_783 = arith.constant 0 : i32
        %dma_start3A_784 = tpu.memref_slice %arg4[%add3A, %add3A_774, %dma_start3A_783] : memref<26x16384x16xf32, #tpu.memory_space<hbm>> -> memref<1x128x16xf32, #tpu.memory_space<hbm>>
        %dma_start3A_785 = tpu.memref_squeeze %dma_start3A_784 : memref<1x128x16xf32, #tpu.memory_space<hbm>> -> memref<128x16xf32, #tpu.memory_space<hbm>>
        %dma_start3A_786 = arith.constant 0 : i32
        %dma_start3A_787 = arith.constant 0 : i32
        %dma_start3A_788 = tpu.memref_slice %arg7[%dma_start3A_775, %dma_start3A_786, %dma_start3A_787] : memref<8x128x16xf32, #tpu.memory_space<vmem>> -> memref<1x128x16xf32, #tpu.memory_space<vmem>>
        %dma_start3A_789 = tpu.memref_squeeze %dma_start3A_788 : memref<1x128x16xf32, #tpu.memory_space<vmem>> -> memref<128x16xf32, #tpu.memory_space<vmem>>
        tpu.enqueue_dma source(%dma_start3A_789 : memref<128x16xf32, #tpu.memory_space<vmem>>) target(%dma_start3A_785 : memref<128x16xf32, #tpu.memory_space<hbm>>) target_semaphore(%arg9 : memref<!tpu.dma_semaphore, #tpu.memory_space<semaphore_mem>>)
        %mul3A_790 = arith.constant 1024 : i32
        %mul3A_791 = arith.muli %add3A_236, %mul3A_790 : i32
        %add3A_792 = arith.constant 896 : i32
        %add3A_793 = arith.addi %mul3A_791, %add3A_792 : i32
        %dma_start3A_794 = arith.constant 7 : i32
        %dma_start3A_795 = arith.constant 0 : i32
        %dma_start3A_796 = arith.constant 0 : i32
        %dma_start3A_797 = tpu.memref_slice %arg7[%dma_start3A_794, %dma_start3A_795, %dma_start3A_796] : memref<8x128x16xf32, #tpu.memory_space<vmem>> -> memref<1x128x16xf32, #tpu.memory_space<vmem>>
        %dma_start3A_798 = tpu.memref_squeeze %dma_start3A_797 : memref<1x128x16xf32, #tpu.memory_space<vmem>> -> memref<128x16xf32, #tpu.memory_space<vmem>>
        %dma_start3A_799 = arith.constant 0 : i32
        %dma_start3A_800 = tpu.memref_slice %arg4[%add3A, %add3A_793, %dma_start3A_799] : memref<26x16384x16xf32, #tpu.memory_space<hbm>> -> memref<1x128x16xf32, #tpu.memory_space<hbm>>
        %dma_start3A_801 = tpu.memref_squeeze %dma_start3A_800 : memref<1x128x16xf32, #tpu.memory_space<hbm>> -> memref<128x16xf32, #tpu.memory_space<hbm>>
        %dma_start3A_802 = arith.constant 0 : i32
        %dma_start3A_803 = tpu.memref_slice %arg4[%add3A, %add3A_793, %dma_start3A_802] : memref<26x16384x16xf32, #tpu.memory_space<hbm>> -> memref<1x128x16xf32, #tpu.memory_space<hbm>>
        %dma_start3A_804 = tpu.memref_squeeze %dma_start3A_803 : memref<1x128x16xf32, #tpu.memory_space<hbm>> -> memref<128x16xf32, #tpu.memory_space<hbm>>
        %dma_start3A_805 = arith.constant 0 : i32
        %dma_start3A_806 = arith.constant 0 : i32
        %dma_start3A_807 = tpu.memref_slice %arg7[%dma_start3A_794, %dma_start3A_805, %dma_start3A_806] : memref<8x128x16xf32, #tpu.memory_space<vmem>> -> memref<1x128x16xf32, #tpu.memory_space<vmem>>
        %dma_start3A_808 = tpu.memref_squeeze %dma_start3A_807 : memref<1x128x16xf32, #tpu.memory_space<vmem>> -> memref<128x16xf32, #tpu.memory_space<vmem>>
        tpu.enqueue_dma source(%dma_start3A_808 : memref<128x16xf32, #tpu.memory_space<vmem>>) target(%dma_start3A_804 : memref<128x16xf32, #tpu.memory_space<hbm>>) target_semaphore(%arg9 : memref<!tpu.dma_semaphore, #tpu.memory_space<semaphore_mem>>)
        %dma_wait3A_809 = arith.constant 0 : i32
        %dma_wait3A_810 = arith.constant 0 : i32
        %dma_wait3A_811 = arith.constant 0 : i32
        %dma_wait3A_812 = arith.constant 0 : i32
        %dma_wait3A_813 = tpu.memref_slice %arg6[%dma_wait3A_809, %dma_wait3A_811, %dma_wait3A_812] : memref<8x128x16xf32, #tpu.memory_space<vmem>> -> memref<1x128x16xf32, #tpu.memory_space<vmem>>
        %dma_wait3A_814 = tpu.memref_squeeze %dma_wait3A_813 : memref<1x128x16xf32, #tpu.memory_space<vmem>> -> memref<128x16xf32, #tpu.memory_space<vmem>>
        %dma_wait3A_815 = arith.constant 0 : i32
        %dma_wait3A_816 = arith.constant 0 : i32
        %dma_wait3A_817 = tpu.memref_slice %arg4[%dma_wait3A_810, %dma_wait3A_815, %dma_wait3A_816] : memref<26x16384x16xf32, #tpu.memory_space<hbm>> -> memref<1x128x16xf32, #tpu.memory_space<hbm>>
        %dma_wait3A_818 = tpu.memref_squeeze %dma_wait3A_817 : memref<1x128x16xf32, #tpu.memory_space<hbm>> -> memref<128x16xf32, #tpu.memory_space<hbm>>
        %dma_wait3A_819 = arith.constant 0 : i32
        %dma_wait3A_820 = arith.constant 0 : i32
        %dma_wait3A_821 = tpu.memref_slice %arg4[%dma_wait3A_810, %dma_wait3A_819, %dma_wait3A_820] : memref<26x16384x16xf32, #tpu.memory_space<hbm>> -> memref<1x128x16xf32, #tpu.memory_space<hbm>>
        %dma_wait3A_822 = tpu.memref_squeeze %dma_wait3A_821 : memref<1x128x16xf32, #tpu.memory_space<hbm>> -> memref<128x16xf32, #tpu.memory_space<hbm>>
        %dma_wait3A_823 = arith.constant 0 : i32
        %dma_wait3A_824 = arith.constant 0 : i32
        %dma_wait3A_825 = tpu.memref_slice %arg6[%dma_wait3A_809, %dma_wait3A_823, %dma_wait3A_824] : memref<8x128x16xf32, #tpu.memory_space<vmem>> -> memref<1x128x16xf32, #tpu.memory_space<vmem>>
        %dma_wait3A_826 = tpu.memref_squeeze %dma_wait3A_825 : memref<1x128x16xf32, #tpu.memory_space<vmem>> -> memref<128x16xf32, #tpu.memory_space<vmem>>
        tpu.wait_dma2 semaphore(%arg9 : memref<!tpu.dma_semaphore, #tpu.memory_space<semaphore_mem>>) src(%dma_wait3A_826 : memref<128x16xf32, #tpu.memory_space<vmem>>) dst(%dma_wait3A_822 : memref<128x16xf32, #tpu.memory_space<hbm>>)
        %dma_wait3A_827 = arith.constant 0 : i32
        %dma_wait3A_828 = arith.constant 0 : i32
        %dma_wait3A_829 = arith.constant 0 : i32
        %dma_wait3A_830 = arith.constant 0 : i32
        %dma_wait3A_831 = tpu.memref_slice %arg6[%dma_wait3A_827, %dma_wait3A_829, %dma_wait3A_830] : memref<8x128x16xf32, #tpu.memory_space<vmem>> -> memref<1x128x16xf32, #tpu.memory_space<vmem>>
        %dma_wait3A_832 = tpu.memref_squeeze %dma_wait3A_831 : memref<1x128x16xf32, #tpu.memory_space<vmem>> -> memref<128x16xf32, #tpu.memory_space<vmem>>
        %dma_wait3A_833 = arith.constant 0 : i32
        %dma_wait3A_834 = arith.constant 0 : i32
        %dma_wait3A_835 = tpu.memref_slice %arg4[%dma_wait3A_828, %dma_wait3A_833, %dma_wait3A_834] : memref<26x16384x16xf32, #tpu.memory_space<hbm>> -> memref<1x128x16xf32, #tpu.memory_space<hbm>>
        %dma_wait3A_836 = tpu.memref_squeeze %dma_wait3A_835 : memref<1x128x16xf32, #tpu.memory_space<hbm>> -> memref<128x16xf32, #tpu.memory_space<hbm>>
        %dma_wait3A_837 = arith.constant 0 : i32
        %dma_wait3A_838 = arith.constant 0 : i32
        %dma_wait3A_839 = tpu.memref_slice %arg4[%dma_wait3A_828, %dma_wait3A_837, %dma_wait3A_838] : memref<26x16384x16xf32, #tpu.memory_space<hbm>> -> memref<1x128x16xf32, #tpu.memory_space<hbm>>
        %dma_wait3A_840 = tpu.memref_squeeze %dma_wait3A_839 : memref<1x128x16xf32, #tpu.memory_space<hbm>> -> memref<128x16xf32, #tpu.memory_space<hbm>>
        %dma_wait3A_841 = arith.constant 0 : i32
        %dma_wait3A_842 = arith.constant 0 : i32
        %dma_wait3A_843 = tpu.memref_slice %arg6[%dma_wait3A_827, %dma_wait3A_841, %dma_wait3A_842] : memref<8x128x16xf32, #tpu.memory_space<vmem>> -> memref<1x128x16xf32, #tpu.memory_space<vmem>>
        %dma_wait3A_844 = tpu.memref_squeeze %dma_wait3A_843 : memref<1x128x16xf32, #tpu.memory_space<vmem>> -> memref<128x16xf32, #tpu.memory_space<vmem>>
        tpu.wait_dma2 semaphore(%arg9 : memref<!tpu.dma_semaphore, #tpu.memory_space<semaphore_mem>>) src(%dma_wait3A_844 : memref<128x16xf32, #tpu.memory_space<vmem>>) dst(%dma_wait3A_840 : memref<128x16xf32, #tpu.memory_space<hbm>>)
        %dma_wait3A_845 = arith.constant 0 : i32
        %dma_wait3A_846 = arith.constant 0 : i32
        %dma_wait3A_847 = arith.constant 0 : i32
        %dma_wait3A_848 = arith.constant 0 : i32
        %dma_wait3A_849 = tpu.memref_slice %arg6[%dma_wait3A_845, %dma_wait3A_847, %dma_wait3A_848] : memref<8x128x16xf32, #tpu.memory_space<vmem>> -> memref<1x128x16xf32, #tpu.memory_space<vmem>>
        %dma_wait3A_850 = tpu.memref_squeeze %dma_wait3A_849 : memref<1x128x16xf32, #tpu.memory_space<vmem>> -> memref<128x16xf32, #tpu.memory_space<vmem>>
        %dma_wait3A_851 = arith.constant 0 : i32
        %dma_wait3A_852 = arith.constant 0 : i32
        %dma_wait3A_853 = tpu.memref_slice %arg4[%dma_wait3A_846, %dma_wait3A_851, %dma_wait3A_852] : memref<26x16384x16xf32, #tpu.memory_space<hbm>> -> memref<1x128x16xf32, #tpu.memory_space<hbm>>
        %dma_wait3A_854 = tpu.memref_squeeze %dma_wait3A_853 : memref<1x128x16xf32, #tpu.memory_space<hbm>> -> memref<128x16xf32, #tpu.memory_space<hbm>>
        %dma_wait3A_855 = arith.constant 0 : i32
        %dma_wait3A_856 = arith.constant 0 : i32
        %dma_wait3A_857 = tpu.memref_slice %arg4[%dma_wait3A_846, %dma_wait3A_855, %dma_wait3A_856] : memref<26x16384x16xf32, #tpu.memory_space<hbm>> -> memref<1x128x16xf32, #tpu.memory_space<hbm>>
        %dma_wait3A_858 = tpu.memref_squeeze %dma_wait3A_857 : memref<1x128x16xf32, #tpu.memory_space<hbm>> -> memref<128x16xf32, #tpu.memory_space<hbm>>
        %dma_wait3A_859 = arith.constant 0 : i32
        %dma_wait3A_860 = arith.constant 0 : i32
        %dma_wait3A_861 = tpu.memref_slice %arg6[%dma_wait3A_845, %dma_wait3A_859, %dma_wait3A_860] : memref<8x128x16xf32, #tpu.memory_space<vmem>> -> memref<1x128x16xf32, #tpu.memory_space<vmem>>
        %dma_wait3A_862 = tpu.memref_squeeze %dma_wait3A_861 : memref<1x128x16xf32, #tpu.memory_space<vmem>> -> memref<128x16xf32, #tpu.memory_space<vmem>>
        tpu.wait_dma2 semaphore(%arg9 : memref<!tpu.dma_semaphore, #tpu.memory_space<semaphore_mem>>) src(%dma_wait3A_862 : memref<128x16xf32, #tpu.memory_space<vmem>>) dst(%dma_wait3A_858 : memref<128x16xf32, #tpu.memory_space<hbm>>)
        %dma_wait3A_863 = arith.constant 0 : i32
        %dma_wait3A_864 = arith.constant 0 : i32
        %dma_wait3A_865 = arith.constant 0 : i32
        %dma_wait3A_866 = arith.constant 0 : i32
        %dma_wait3A_867 = tpu.memref_slice %arg6[%dma_wait3A_863, %dma_wait3A_865, %dma_wait3A_866] : memref<8x128x16xf32, #tpu.memory_space<vmem>> -> memref<1x128x16xf32, #tpu.memory_space<vmem>>
        %dma_wait3A_868 = tpu.memref_squeeze %dma_wait3A_867 : memref<1x128x16xf32, #tpu.memory_space<vmem>> -> memref<128x16xf32, #tpu.memory_space<vmem>>
        %dma_wait3A_869 = arith.constant 0 : i32
        %dma_wait3A_870 = arith.constant 0 : i32
        %dma_wait3A_871 = tpu.memref_slice %arg4[%dma_wait3A_864, %dma_wait3A_869, %dma_wait3A_870] : memref<26x16384x16xf32, #tpu.memory_space<hbm>> -> memref<1x128x16xf32, #tpu.memory_space<hbm>>
        %dma_wait3A_872 = tpu.memref_squeeze %dma_wait3A_871 : memref<1x128x16xf32, #tpu.memory_space<hbm>> -> memref<128x16xf32, #tpu.memory_space<hbm>>
        %dma_wait3A_873 = arith.constant 0 : i32
        %dma_wait3A_874 = arith.constant 0 : i32
        %dma_wait3A_875 = tpu.memref_slice %arg4[%dma_wait3A_864, %dma_wait3A_873, %dma_wait3A_874] : memref<26x16384x16xf32, #tpu.memory_space<hbm>> -> memref<1x128x16xf32, #tpu.memory_space<hbm>>
        %dma_wait3A_876 = tpu.memref_squeeze %dma_wait3A_875 : memref<1x128x16xf32, #tpu.memory_space<hbm>> -> memref<128x16xf32, #tpu.memory_space<hbm>>
        %dma_wait3A_877 = arith.constant 0 : i32
        %dma_wait3A_878 = arith.constant 0 : i32
        %dma_wait3A_879 = tpu.memref_slice %arg6[%dma_wait3A_863, %dma_wait3A_877, %dma_wait3A_878] : memref<8x128x16xf32, #tpu.memory_space<vmem>> -> memref<1x128x16xf32, #tpu.memory_space<vmem>>
        %dma_wait3A_880 = tpu.memref_squeeze %dma_wait3A_879 : memref<1x128x16xf32, #tpu.memory_space<vmem>> -> memref<128x16xf32, #tpu.memory_space<vmem>>
        tpu.wait_dma2 semaphore(%arg9 : memref<!tpu.dma_semaphore, #tpu.memory_space<semaphore_mem>>) src(%dma_wait3A_880 : memref<128x16xf32, #tpu.memory_space<vmem>>) dst(%dma_wait3A_876 : memref<128x16xf32, #tpu.memory_space<hbm>>)
        %dma_wait3A_881 = arith.constant 0 : i32
        %dma_wait3A_882 = arith.constant 0 : i32
        %dma_wait3A_883 = arith.constant 0 : i32
        %dma_wait3A_884 = arith.constant 0 : i32
        %dma_wait3A_885 = tpu.memref_slice %arg6[%dma_wait3A_881, %dma_wait3A_883, %dma_wait3A_884] : memref<8x128x16xf32, #tpu.memory_space<vmem>> -> memref<1x128x16xf32, #tpu.memory_space<vmem>>
        %dma_wait3A_886 = tpu.memref_squeeze %dma_wait3A_885 : memref<1x128x16xf32, #tpu.memory_space<vmem>> -> memref<128x16xf32, #tpu.memory_space<vmem>>
        %dma_wait3A_887 = arith.constant 0 : i32
        %dma_wait3A_888 = arith.constant 0 : i32
        %dma_wait3A_889 = tpu.memref_slice %arg4[%dma_wait3A_882, %dma_wait3A_887, %dma_wait3A_888] : memref<26x16384x16xf32, #tpu.memory_space<hbm>> -> memref<1x128x16xf32, #tpu.memory_space<hbm>>
        %dma_wait3A_890 = tpu.memref_squeeze %dma_wait3A_889 : memref<1x128x16xf32, #tpu.memory_space<hbm>> -> memref<128x16xf32, #tpu.memory_space<hbm>>
        %dma_wait3A_891 = arith.constant 0 : i32
        %dma_wait3A_892 = arith.constant 0 : i32
        %dma_wait3A_893 = tpu.memref_slice %arg4[%dma_wait3A_882, %dma_wait3A_891, %dma_wait3A_892] : memref<26x16384x16xf32, #tpu.memory_space<hbm>> -> memref<1x128x16xf32, #tpu.memory_space<hbm>>
        %dma_wait3A_894 = tpu.memref_squeeze %dma_wait3A_893 : memref<1x128x16xf32, #tpu.memory_space<hbm>> -> memref<128x16xf32, #tpu.memory_space<hbm>>
        %dma_wait3A_895 = arith.constant 0 : i32
        %dma_wait3A_896 = arith.constant 0 : i32
        %dma_wait3A_897 = tpu.memref_slice %arg6[%dma_wait3A_881, %dma_wait3A_895, %dma_wait3A_896] : memref<8x128x16xf32, #tpu.memory_space<vmem>> -> memref<1x128x16xf32, #tpu.memory_space<vmem>>
        %dma_wait3A_898 = tpu.memref_squeeze %dma_wait3A_897 : memref<1x128x16xf32, #tpu.memory_space<vmem>> -> memref<128x16xf32, #tpu.memory_space<vmem>>
        tpu.wait_dma2 semaphore(%arg9 : memref<!tpu.dma_semaphore, #tpu.memory_space<semaphore_mem>>) src(%dma_wait3A_898 : memref<128x16xf32, #tpu.memory_space<vmem>>) dst(%dma_wait3A_894 : memref<128x16xf32, #tpu.memory_space<hbm>>)
        %dma_wait3A_899 = arith.constant 0 : i32
        %dma_wait3A_900 = arith.constant 0 : i32
        %dma_wait3A_901 = arith.constant 0 : i32
        %dma_wait3A_902 = arith.constant 0 : i32
        %dma_wait3A_903 = tpu.memref_slice %arg6[%dma_wait3A_899, %dma_wait3A_901, %dma_wait3A_902] : memref<8x128x16xf32, #tpu.memory_space<vmem>> -> memref<1x128x16xf32, #tpu.memory_space<vmem>>
        %dma_wait3A_904 = tpu.memref_squeeze %dma_wait3A_903 : memref<1x128x16xf32, #tpu.memory_space<vmem>> -> memref<128x16xf32, #tpu.memory_space<vmem>>
        %dma_wait3A_905 = arith.constant 0 : i32
        %dma_wait3A_906 = arith.constant 0 : i32
        %dma_wait3A_907 = tpu.memref_slice %arg4[%dma_wait3A_900, %dma_wait3A_905, %dma_wait3A_906] : memref<26x16384x16xf32, #tpu.memory_space<hbm>> -> memref<1x128x16xf32, #tpu.memory_space<hbm>>
        %dma_wait3A_908 = tpu.memref_squeeze %dma_wait3A_907 : memref<1x128x16xf32, #tpu.memory_space<hbm>> -> memref<128x16xf32, #tpu.memory_space<hbm>>
        %dma_wait3A_909 = arith.constant 0 : i32
        %dma_wait3A_910 = arith.constant 0 : i32
        %dma_wait3A_911 = tpu.memref_slice %arg4[%dma_wait3A_900, %dma_wait3A_909, %dma_wait3A_910] : memref<26x16384x16xf32, #tpu.memory_space<hbm>> -> memref<1x128x16xf32, #tpu.memory_space<hbm>>
        %dma_wait3A_912 = tpu.memref_squeeze %dma_wait3A_911 : memref<1x128x16xf32, #tpu.memory_space<hbm>> -> memref<128x16xf32, #tpu.memory_space<hbm>>
        %dma_wait3A_913 = arith.constant 0 : i32
        %dma_wait3A_914 = arith.constant 0 : i32
        %dma_wait3A_915 = tpu.memref_slice %arg6[%dma_wait3A_899, %dma_wait3A_913, %dma_wait3A_914] : memref<8x128x16xf32, #tpu.memory_space<vmem>> -> memref<1x128x16xf32, #tpu.memory_space<vmem>>
        %dma_wait3A_916 = tpu.memref_squeeze %dma_wait3A_915 : memref<1x128x16xf32, #tpu.memory_space<vmem>> -> memref<128x16xf32, #tpu.memory_space<vmem>>
        tpu.wait_dma2 semaphore(%arg9 : memref<!tpu.dma_semaphore, #tpu.memory_space<semaphore_mem>>) src(%dma_wait3A_916 : memref<128x16xf32, #tpu.memory_space<vmem>>) dst(%dma_wait3A_912 : memref<128x16xf32, #tpu.memory_space<hbm>>)
        %dma_wait3A_917 = arith.constant 0 : i32
        %dma_wait3A_918 = arith.constant 0 : i32
        %dma_wait3A_919 = arith.constant 0 : i32
        %dma_wait3A_920 = arith.constant 0 : i32
        %dma_wait3A_921 = tpu.memref_slice %arg6[%dma_wait3A_917, %dma_wait3A_919, %dma_wait3A_920] : memref<8x128x16xf32, #tpu.memory_space<vmem>> -> memref<1x128x16xf32, #tpu.memory_space<vmem>>
        %dma_wait3A_922 = tpu.memref_squeeze %dma_wait3A_921 : memref<1x128x16xf32, #tpu.memory_space<vmem>> -> memref<128x16xf32, #tpu.memory_space<vmem>>
        %dma_wait3A_923 = arith.constant 0 : i32
        %dma_wait3A_924 = arith.constant 0 : i32
        %dma_wait3A_925 = tpu.memref_slice %arg4[%dma_wait3A_918, %dma_wait3A_923, %dma_wait3A_924] : memref<26x16384x16xf32, #tpu.memory_space<hbm>> -> memref<1x128x16xf32, #tpu.memory_space<hbm>>
        %dma_wait3A_926 = tpu.memref_squeeze %dma_wait3A_925 : memref<1x128x16xf32, #tpu.memory_space<hbm>> -> memref<128x16xf32, #tpu.memory_space<hbm>>
        %dma_wait3A_927 = arith.constant 0 : i32
        %dma_wait3A_928 = arith.constant 0 : i32
        %dma_wait3A_929 = tpu.memref_slice %arg4[%dma_wait3A_918, %dma_wait3A_927, %dma_wait3A_928] : memref<26x16384x16xf32, #tpu.memory_space<hbm>> -> memref<1x128x16xf32, #tpu.memory_space<hbm>>
        %dma_wait3A_930 = tpu.memref_squeeze %dma_wait3A_929 : memref<1x128x16xf32, #tpu.memory_space<hbm>> -> memref<128x16xf32, #tpu.memory_space<hbm>>
        %dma_wait3A_931 = arith.constant 0 : i32
        %dma_wait3A_932 = arith.constant 0 : i32
        %dma_wait3A_933 = tpu.memref_slice %arg6[%dma_wait3A_917, %dma_wait3A_931, %dma_wait3A_932] : memref<8x128x16xf32, #tpu.memory_space<vmem>> -> memref<1x128x16xf32, #tpu.memory_space<vmem>>
        %dma_wait3A_934 = tpu.memref_squeeze %dma_wait3A_933 : memref<1x128x16xf32, #tpu.memory_space<vmem>> -> memref<128x16xf32, #tpu.memory_space<vmem>>
        tpu.wait_dma2 semaphore(%arg9 : memref<!tpu.dma_semaphore, #tpu.memory_space<semaphore_mem>>) src(%dma_wait3A_934 : memref<128x16xf32, #tpu.memory_space<vmem>>) dst(%dma_wait3A_930 : memref<128x16xf32, #tpu.memory_space<hbm>>)
        %dma_wait3A_935 = arith.constant 0 : i32
        %dma_wait3A_936 = arith.constant 0 : i32
        %dma_wait3A_937 = arith.constant 0 : i32
        %dma_wait3A_938 = arith.constant 0 : i32
        %dma_wait3A_939 = tpu.memref_slice %arg6[%dma_wait3A_935, %dma_wait3A_937, %dma_wait3A_938] : memref<8x128x16xf32, #tpu.memory_space<vmem>> -> memref<1x128x16xf32, #tpu.memory_space<vmem>>
        %dma_wait3A_940 = tpu.memref_squeeze %dma_wait3A_939 : memref<1x128x16xf32, #tpu.memory_space<vmem>> -> memref<128x16xf32, #tpu.memory_space<vmem>>
        %dma_wait3A_941 = arith.constant 0 : i32
        %dma_wait3A_942 = arith.constant 0 : i32
        %dma_wait3A_943 = tpu.memref_slice %arg4[%dma_wait3A_936, %dma_wait3A_941, %dma_wait3A_942] : memref<26x16384x16xf32, #tpu.memory_space<hbm>> -> memref<1x128x16xf32, #tpu.memory_space<hbm>>
        %dma_wait3A_944 = tpu.memref_squeeze %dma_wait3A_943 : memref<1x128x16xf32, #tpu.memory_space<hbm>> -> memref<128x16xf32, #tpu.memory_space<hbm>>
        %dma_wait3A_945 = arith.constant 0 : i32
        %dma_wait3A_946 = arith.constant 0 : i32
        %dma_wait3A_947 = tpu.memref_slice %arg4[%dma_wait3A_936, %dma_wait3A_945, %dma_wait3A_946] : memref<26x16384x16xf32, #tpu.memory_space<hbm>> -> memref<1x128x16xf32, #tpu.memory_space<hbm>>
        %dma_wait3A_948 = tpu.memref_squeeze %dma_wait3A_947 : memref<1x128x16xf32, #tpu.memory_space<hbm>> -> memref<128x16xf32, #tpu.memory_space<hbm>>
        %dma_wait3A_949 = arith.constant 0 : i32
        %dma_wait3A_950 = arith.constant 0 : i32
        %dma_wait3A_951 = tpu.memref_slice %arg6[%dma_wait3A_935, %dma_wait3A_949, %dma_wait3A_950] : memref<8x128x16xf32, #tpu.memory_space<vmem>> -> memref<1x128x16xf32, #tpu.memory_space<vmem>>
        %dma_wait3A_952 = tpu.memref_squeeze %dma_wait3A_951 : memref<1x128x16xf32, #tpu.memory_space<vmem>> -> memref<128x16xf32, #tpu.memory_space<vmem>>
        tpu.wait_dma2 semaphore(%arg9 : memref<!tpu.dma_semaphore, #tpu.memory_space<semaphore_mem>>) src(%dma_wait3A_952 : memref<128x16xf32, #tpu.memory_space<vmem>>) dst(%dma_wait3A_948 : memref<128x16xf32, #tpu.memory_space<hbm>>)
        %add3A_953 = arith.constant 1 : i32
        %add3A_954 = arith.addi %add3A_236, %add3A_953 : i32
        %lt3A_955 = arith.constant 16 : i32
        %lt3A_956 = arith.cmpi slt, %add3A_954, %lt3A_955 : i32
        %convert_element_type3A_957 = arith.extui %lt3A_956 : i1 to i32
        %cond3A_958 = arith.constant 0 : i32
        %cond3A_959 = arith.cmpi ne, %convert_element_type3A_957, %cond3A_958 : i32
        scf.if %cond3A_959 {
          %add3A_960 = arith.constant 1 : i32
          %add3A_961 = arith.addi %add3A_236, %add3A_960 : i32
          %mul3A_962 = arith.constant 1024 : i32
          %mul3A_963 = arith.muli %add3A_961, %mul3A_962 : i32
          %add3A_964 = arith.constant 0 : i32
          %add3A_965 = arith.addi %mul3A_963, %add3A_964 : i32
          %dma_start3A_966 = arith.constant 0 : i32
          %dma_start3A_967 = arith.constant 0 : i32
          %dma_start3A_968 = arith.constant 0 : i32
          %dma_start3A_969 = tpu.memref_slice %arg6[%dma_start3A_966, %dma_start3A_967, %dma_start3A_968] : memref<8x128x16xf32, #tpu.memory_space<vmem>> -> memref<1x128x16xf32, #tpu.memory_space<vmem>>
          %dma_start3A_970 = tpu.memref_squeeze %dma_start3A_969 : memref<1x128x16xf32, #tpu.memory_space<vmem>> -> memref<128x16xf32, #tpu.memory_space<vmem>>
          %dma_start3A_971 = tpu.memref_slice %arg5[%add3A_965] : memref<16384xi32, #tpu.memory_space<vmem>> -> memref<128xi32, #tpu.memory_space<vmem>>
          %dma_start3A_972 = arith.constant 0 : i32
          %dma_start3A_973 = arith.constant 0 : i32
          %dma_start3A_974 = tpu.memref_slice %arg3[%dma_start3A_972, %dma_start3A_973] : memref<1000000x16xf32, #tpu.memory_space<hbm>> -> memref<1000000x16xf32, #tpu.memory_space<hbm>>
          tpu.enqueue_indirect_dma source(%dma_start3A_974 : memref<1000000x16xf32, #tpu.memory_space<hbm>>) target(%dma_start3A_970 : memref<128x16xf32, #tpu.memory_space<vmem>>) offsets(%dma_start3A_971 : memref<128xi32, #tpu.memory_space<vmem>>) semaphore(%arg8 : memref<!tpu.dma_semaphore, #tpu.memory_space<semaphore_mem>>)
          %mul3A_975 = arith.constant 1024 : i32
          %mul3A_976 = arith.muli %add3A_961, %mul3A_975 : i32
          %add3A_977 = arith.constant 128 : i32
          %add3A_978 = arith.addi %mul3A_976, %add3A_977 : i32
          %dma_start3A_979 = arith.constant 1 : i32
          %dma_start3A_980 = arith.constant 0 : i32
          %dma_start3A_981 = arith.constant 0 : i32
          %dma_start3A_982 = tpu.memref_slice %arg6[%dma_start3A_979, %dma_start3A_980, %dma_start3A_981] : memref<8x128x16xf32, #tpu.memory_space<vmem>> -> memref<1x128x16xf32, #tpu.memory_space<vmem>>
          %dma_start3A_983 = tpu.memref_squeeze %dma_start3A_982 : memref<1x128x16xf32, #tpu.memory_space<vmem>> -> memref<128x16xf32, #tpu.memory_space<vmem>>
          %dma_start3A_984 = tpu.memref_slice %arg5[%add3A_978] : memref<16384xi32, #tpu.memory_space<vmem>> -> memref<128xi32, #tpu.memory_space<vmem>>
          %dma_start3A_985 = arith.constant 0 : i32
          %dma_start3A_986 = arith.constant 0 : i32
          %dma_start3A_987 = tpu.memref_slice %arg3[%dma_start3A_985, %dma_start3A_986] : memref<1000000x16xf32, #tpu.memory_space<hbm>> -> memref<1000000x16xf32, #tpu.memory_space<hbm>>
          tpu.enqueue_indirect_dma source(%dma_start3A_987 : memref<1000000x16xf32, #tpu.memory_space<hbm>>) target(%dma_start3A_983 : memref<128x16xf32, #tpu.memory_space<vmem>>) offsets(%dma_start3A_984 : memref<128xi32, #tpu.memory_space<vmem>>) semaphore(%arg8 : memref<!tpu.dma_semaphore, #tpu.memory_space<semaphore_mem>>)
          %mul3A_988 = arith.constant 1024 : i32
          %mul3A_989 = arith.muli %add3A_961, %mul3A_988 : i32
          %add3A_990 = arith.constant 256 : i32
          %add3A_991 = arith.addi %mul3A_989, %add3A_990 : i32
          %dma_start3A_992 = arith.constant 2 : i32
          %dma_start3A_993 = arith.constant 0 : i32
          %dma_start3A_994 = arith.constant 0 : i32
          %dma_start3A_995 = tpu.memref_slice %arg6[%dma_start3A_992, %dma_start3A_993, %dma_start3A_994] : memref<8x128x16xf32, #tpu.memory_space<vmem>> -> memref<1x128x16xf32, #tpu.memory_space<vmem>>
          %dma_start3A_996 = tpu.memref_squeeze %dma_start3A_995 : memref<1x128x16xf32, #tpu.memory_space<vmem>> -> memref<128x16xf32, #tpu.memory_space<vmem>>
          %dma_start3A_997 = tpu.memref_slice %arg5[%add3A_991] : memref<16384xi32, #tpu.memory_space<vmem>> -> memref<128xi32, #tpu.memory_space<vmem>>
          %dma_start3A_998 = arith.constant 0 : i32
          %dma_start3A_999 = arith.constant 0 : i32
          %dma_start3A_1000 = tpu.memref_slice %arg3[%dma_start3A_998, %dma_start3A_999] : memref<1000000x16xf32, #tpu.memory_space<hbm>> -> memref<1000000x16xf32, #tpu.memory_space<hbm>>
          tpu.enqueue_indirect_dma source(%dma_start3A_1000 : memref<1000000x16xf32, #tpu.memory_space<hbm>>) target(%dma_start3A_996 : memref<128x16xf32, #tpu.memory_space<vmem>>) offsets(%dma_start3A_997 : memref<128xi32, #tpu.memory_space<vmem>>) semaphore(%arg8 : memref<!tpu.dma_semaphore, #tpu.memory_space<semaphore_mem>>)
          %mul3A_1001 = arith.constant 1024 : i32
          %mul3A_1002 = arith.muli %add3A_961, %mul3A_1001 : i32
          %add3A_1003 = arith.constant 384 : i32
          %add3A_1004 = arith.addi %mul3A_1002, %add3A_1003 : i32
          %dma_start3A_1005 = arith.constant 3 : i32
          %dma_start3A_1006 = arith.constant 0 : i32
          %dma_start3A_1007 = arith.constant 0 : i32
          %dma_start3A_1008 = tpu.memref_slice %arg6[%dma_start3A_1005, %dma_start3A_1006, %dma_start3A_1007] : memref<8x128x16xf32, #tpu.memory_space<vmem>> -> memref<1x128x16xf32, #tpu.memory_space<vmem>>
          %dma_start3A_1009 = tpu.memref_squeeze %dma_start3A_1008 : memref<1x128x16xf32, #tpu.memory_space<vmem>> -> memref<128x16xf32, #tpu.memory_space<vmem>>
          %dma_start3A_1010 = tpu.memref_slice %arg5[%add3A_1004] : memref<16384xi32, #tpu.memory_space<vmem>> -> memref<128xi32, #tpu.memory_space<vmem>>
          %dma_start3A_1011 = arith.constant 0 : i32
          %dma_start3A_1012 = arith.constant 0 : i32
          %dma_start3A_1013 = tpu.memref_slice %arg3[%dma_start3A_1011, %dma_start3A_1012] : memref<1000000x16xf32, #tpu.memory_space<hbm>> -> memref<1000000x16xf32, #tpu.memory_space<hbm>>
          tpu.enqueue_indirect_dma source(%dma_start3A_1013 : memref<1000000x16xf32, #tpu.memory_space<hbm>>) target(%dma_start3A_1009 : memref<128x16xf32, #tpu.memory_space<vmem>>) offsets(%dma_start3A_1010 : memref<128xi32, #tpu.memory_space<vmem>>) semaphore(%arg8 : memref<!tpu.dma_semaphore, #tpu.memory_space<semaphore_mem>>)
          %mul3A_1014 = arith.constant 1024 : i32
          %mul3A_1015 = arith.muli %add3A_961, %mul3A_1014 : i32
          %add3A_1016 = arith.constant 512 : i32
          %add3A_1017 = arith.addi %mul3A_1015, %add3A_1016 : i32
          %dma_start3A_1018 = arith.constant 4 : i32
          %dma_start3A_1019 = arith.constant 0 : i32
          %dma_start3A_1020 = arith.constant 0 : i32
          %dma_start3A_1021 = tpu.memref_slice %arg6[%dma_start3A_1018, %dma_start3A_1019, %dma_start3A_1020] : memref<8x128x16xf32, #tpu.memory_space<vmem>> -> memref<1x128x16xf32, #tpu.memory_space<vmem>>
          %dma_start3A_1022 = tpu.memref_squeeze %dma_start3A_1021 : memref<1x128x16xf32, #tpu.memory_space<vmem>> -> memref<128x16xf32, #tpu.memory_space<vmem>>
          %dma_start3A_1023 = tpu.memref_slice %arg5[%add3A_1017] : memref<16384xi32, #tpu.memory_space<vmem>> -> memref<128xi32, #tpu.memory_space<vmem>>
          %dma_start3A_1024 = arith.constant 0 : i32
          %dma_start3A_1025 = arith.constant 0 : i32
          %dma_start3A_1026 = tpu.memref_slice %arg3[%dma_start3A_1024, %dma_start3A_1025] : memref<1000000x16xf32, #tpu.memory_space<hbm>> -> memref<1000000x16xf32, #tpu.memory_space<hbm>>
          tpu.enqueue_indirect_dma source(%dma_start3A_1026 : memref<1000000x16xf32, #tpu.memory_space<hbm>>) target(%dma_start3A_1022 : memref<128x16xf32, #tpu.memory_space<vmem>>) offsets(%dma_start3A_1023 : memref<128xi32, #tpu.memory_space<vmem>>) semaphore(%arg8 : memref<!tpu.dma_semaphore, #tpu.memory_space<semaphore_mem>>)
          %mul3A_1027 = arith.constant 1024 : i32
          %mul3A_1028 = arith.muli %add3A_961, %mul3A_1027 : i32
          %add3A_1029 = arith.constant 640 : i32
          %add3A_1030 = arith.addi %mul3A_1028, %add3A_1029 : i32
          %dma_start3A_1031 = arith.constant 5 : i32
          %dma_start3A_1032 = arith.constant 0 : i32
          %dma_start3A_1033 = arith.constant 0 : i32
          %dma_start3A_1034 = tpu.memref_slice %arg6[%dma_start3A_1031, %dma_start3A_1032, %dma_start3A_1033] : memref<8x128x16xf32, #tpu.memory_space<vmem>> -> memref<1x128x16xf32, #tpu.memory_space<vmem>>
          %dma_start3A_1035 = tpu.memref_squeeze %dma_start3A_1034 : memref<1x128x16xf32, #tpu.memory_space<vmem>> -> memref<128x16xf32, #tpu.memory_space<vmem>>
          %dma_start3A_1036 = tpu.memref_slice %arg5[%add3A_1030] : memref<16384xi32, #tpu.memory_space<vmem>> -> memref<128xi32, #tpu.memory_space<vmem>>
          %dma_start3A_1037 = arith.constant 0 : i32
          %dma_start3A_1038 = arith.constant 0 : i32
          %dma_start3A_1039 = tpu.memref_slice %arg3[%dma_start3A_1037, %dma_start3A_1038] : memref<1000000x16xf32, #tpu.memory_space<hbm>> -> memref<1000000x16xf32, #tpu.memory_space<hbm>>
          tpu.enqueue_indirect_dma source(%dma_start3A_1039 : memref<1000000x16xf32, #tpu.memory_space<hbm>>) target(%dma_start3A_1035 : memref<128x16xf32, #tpu.memory_space<vmem>>) offsets(%dma_start3A_1036 : memref<128xi32, #tpu.memory_space<vmem>>) semaphore(%arg8 : memref<!tpu.dma_semaphore, #tpu.memory_space<semaphore_mem>>)
          %mul3A_1040 = arith.constant 1024 : i32
          %mul3A_1041 = arith.muli %add3A_961, %mul3A_1040 : i32
          %add3A_1042 = arith.constant 768 : i32
          %add3A_1043 = arith.addi %mul3A_1041, %add3A_1042 : i32
          %dma_start3A_1044 = arith.constant 6 : i32
          %dma_start3A_1045 = arith.constant 0 : i32
          %dma_start3A_1046 = arith.constant 0 : i32
          %dma_start3A_1047 = tpu.memref_slice %arg6[%dma_start3A_1044, %dma_start3A_1045, %dma_start3A_1046] : memref<8x128x16xf32, #tpu.memory_space<vmem>> -> memref<1x128x16xf32, #tpu.memory_space<vmem>>
          %dma_start3A_1048 = tpu.memref_squeeze %dma_start3A_1047 : memref<1x128x16xf32, #tpu.memory_space<vmem>> -> memref<128x16xf32, #tpu.memory_space<vmem>>
          %dma_start3A_1049 = tpu.memref_slice %arg5[%add3A_1043] : memref<16384xi32, #tpu.memory_space<vmem>> -> memref<128xi32, #tpu.memory_space<vmem>>
          %dma_start3A_1050 = arith.constant 0 : i32
          %dma_start3A_1051 = arith.constant 0 : i32
          %dma_start3A_1052 = tpu.memref_slice %arg3[%dma_start3A_1050, %dma_start3A_1051] : memref<1000000x16xf32, #tpu.memory_space<hbm>> -> memref<1000000x16xf32, #tpu.memory_space<hbm>>
          tpu.enqueue_indirect_dma source(%dma_start3A_1052 : memref<1000000x16xf32, #tpu.memory_space<hbm>>) target(%dma_start3A_1048 : memref<128x16xf32, #tpu.memory_space<vmem>>) offsets(%dma_start3A_1049 : memref<128xi32, #tpu.memory_space<vmem>>) semaphore(%arg8 : memref<!tpu.dma_semaphore, #tpu.memory_space<semaphore_mem>>)
          %mul3A_1053 = arith.constant 1024 : i32
          %mul3A_1054 = arith.muli %add3A_961, %mul3A_1053 : i32
          %add3A_1055 = arith.constant 896 : i32
          %add3A_1056 = arith.addi %mul3A_1054, %add3A_1055 : i32
          %dma_start3A_1057 = arith.constant 7 : i32
          %dma_start3A_1058 = arith.constant 0 : i32
          %dma_start3A_1059 = arith.constant 0 : i32
          %dma_start3A_1060 = tpu.memref_slice %arg6[%dma_start3A_1057, %dma_start3A_1058, %dma_start3A_1059] : memref<8x128x16xf32, #tpu.memory_space<vmem>> -> memref<1x128x16xf32, #tpu.memory_space<vmem>>
          %dma_start3A_1061 = tpu.memref_squeeze %dma_start3A_1060 : memref<1x128x16xf32, #tpu.memory_space<vmem>> -> memref<128x16xf32, #tpu.memory_space<vmem>>
          %dma_start3A_1062 = tpu.memref_slice %arg5[%add3A_1056] : memref<16384xi32, #tpu.memory_space<vmem>> -> memref<128xi32, #tpu.memory_space<vmem>>
          %dma_start3A_1063 = arith.constant 0 : i32
          %dma_start3A_1064 = arith.constant 0 : i32
          %dma_start3A_1065 = tpu.memref_slice %arg3[%dma_start3A_1063, %dma_start3A_1064] : memref<1000000x16xf32, #tpu.memory_space<hbm>> -> memref<1000000x16xf32, #tpu.memory_space<hbm>>
          tpu.enqueue_indirect_dma source(%dma_start3A_1065 : memref<1000000x16xf32, #tpu.memory_space<hbm>>) target(%dma_start3A_1061 : memref<128x16xf32, #tpu.memory_space<vmem>>) offsets(%dma_start3A_1062 : memref<128xi32, #tpu.memory_space<vmem>>) semaphore(%arg8 : memref<!tpu.dma_semaphore, #tpu.memory_space<semaphore_mem>>)
        } else {
        }
      }
      %scan3A_86 = arith.constant 8 : i32
      %dma_wait3A = arith.constant 0 : i32
      %dma_wait3A_87 = arith.constant 0 : i32
      %dma_wait3A_88 = arith.constant 0 : i32
      %dma_wait3A_89 = arith.constant 0 : i32
      %dma_wait3A_90 = tpu.memref_slice %arg6[%dma_wait3A, %dma_wait3A_88, %dma_wait3A_89] : memref<8x128x16xf32, #tpu.memory_space<vmem>> -> memref<1x128x16xf32, #tpu.memory_space<vmem>>
      %dma_wait3A_91 = tpu.memref_squeeze %dma_wait3A_90 : memref<1x128x16xf32, #tpu.memory_space<vmem>> -> memref<128x16xf32, #tpu.memory_space<vmem>>
      %dma_wait3A_92 = arith.constant 0 : i32
      %dma_wait3A_93 = arith.constant 0 : i32
      %dma_wait3A_94 = tpu.memref_slice %arg4[%dma_wait3A_87, %dma_wait3A_92, %dma_wait3A_93] : memref<26x16384x16xf32, #tpu.memory_space<hbm>> -> memref<1x128x16xf32, #tpu.memory_space<hbm>>
      %dma_wait3A_95 = tpu.memref_squeeze %dma_wait3A_94 : memref<1x128x16xf32, #tpu.memory_space<hbm>> -> memref<128x16xf32, #tpu.memory_space<hbm>>
      %dma_wait3A_96 = arith.constant 0 : i32
      %dma_wait3A_97 = arith.constant 0 : i32
      %dma_wait3A_98 = tpu.memref_slice %arg4[%dma_wait3A_87, %dma_wait3A_96, %dma_wait3A_97] : memref<26x16384x16xf32, #tpu.memory_space<hbm>> -> memref<1x128x16xf32, #tpu.memory_space<hbm>>
      %dma_wait3A_99 = tpu.memref_squeeze %dma_wait3A_98 : memref<1x128x16xf32, #tpu.memory_space<hbm>> -> memref<128x16xf32, #tpu.memory_space<hbm>>
      %dma_wait3A_100 = arith.constant 0 : i32
      %dma_wait3A_101 = arith.constant 0 : i32
      %dma_wait3A_102 = tpu.memref_slice %arg6[%dma_wait3A, %dma_wait3A_100, %dma_wait3A_101] : memref<8x128x16xf32, #tpu.memory_space<vmem>> -> memref<1x128x16xf32, #tpu.memory_space<vmem>>
      %dma_wait3A_103 = tpu.memref_squeeze %dma_wait3A_102 : memref<1x128x16xf32, #tpu.memory_space<vmem>> -> memref<128x16xf32, #tpu.memory_space<vmem>>
      tpu.wait_dma2 semaphore(%arg9 : memref<!tpu.dma_semaphore, #tpu.memory_space<semaphore_mem>>) src(%dma_wait3A_103 : memref<128x16xf32, #tpu.memory_space<vmem>>) dst(%dma_wait3A_99 : memref<128x16xf32, #tpu.memory_space<hbm>>)
      %dma_wait3A_104 = arith.constant 0 : i32
      %dma_wait3A_105 = arith.constant 0 : i32
      %dma_wait3A_106 = arith.constant 0 : i32
      %dma_wait3A_107 = arith.constant 0 : i32
      %dma_wait3A_108 = tpu.memref_slice %arg6[%dma_wait3A_104, %dma_wait3A_106, %dma_wait3A_107] : memref<8x128x16xf32, #tpu.memory_space<vmem>> -> memref<1x128x16xf32, #tpu.memory_space<vmem>>
      %dma_wait3A_109 = tpu.memref_squeeze %dma_wait3A_108 : memref<1x128x16xf32, #tpu.memory_space<vmem>> -> memref<128x16xf32, #tpu.memory_space<vmem>>
      %dma_wait3A_110 = arith.constant 0 : i32
      %dma_wait3A_111 = arith.constant 0 : i32
      %dma_wait3A_112 = tpu.memref_slice %arg4[%dma_wait3A_105, %dma_wait3A_110, %dma_wait3A_111] : memref<26x16384x16xf32, #tpu.memory_space<hbm>> -> memref<1x128x16xf32, #tpu.memory_space<hbm>>
      %dma_wait3A_113 = tpu.memref_squeeze %dma_wait3A_112 : memref<1x128x16xf32, #tpu.memory_space<hbm>> -> memref<128x16xf32, #tpu.memory_space<hbm>>
      %dma_wait3A_114 = arith.constant 0 : i32
      %dma_wait3A_115 = arith.constant 0 : i32
      %dma_wait3A_116 = tpu.memref_slice %arg4[%dma_wait3A_105, %dma_wait3A_114, %dma_wait3A_115] : memref<26x16384x16xf32, #tpu.memory_space<hbm>> -> memref<1x128x16xf32, #tpu.memory_space<hbm>>
      %dma_wait3A_117 = tpu.memref_squeeze %dma_wait3A_116 : memref<1x128x16xf32, #tpu.memory_space<hbm>> -> memref<128x16xf32, #tpu.memory_space<hbm>>
      %dma_wait3A_118 = arith.constant 0 : i32
      %dma_wait3A_119 = arith.constant 0 : i32
      %dma_wait3A_120 = tpu.memref_slice %arg6[%dma_wait3A_104, %dma_wait3A_118, %dma_wait3A_119] : memref<8x128x16xf32, #tpu.memory_space<vmem>> -> memref<1x128x16xf32, #tpu.memory_space<vmem>>
      %dma_wait3A_121 = tpu.memref_squeeze %dma_wait3A_120 : memref<1x128x16xf32, #tpu.memory_space<vmem>> -> memref<128x16xf32, #tpu.memory_space<vmem>>
      tpu.wait_dma2 semaphore(%arg9 : memref<!tpu.dma_semaphore, #tpu.memory_space<semaphore_mem>>) src(%dma_wait3A_121 : memref<128x16xf32, #tpu.memory_space<vmem>>) dst(%dma_wait3A_117 : memref<128x16xf32, #tpu.memory_space<hbm>>)
      %dma_wait3A_122 = arith.constant 0 : i32
      %dma_wait3A_123 = arith.constant 0 : i32
      %dma_wait3A_124 = arith.constant 0 : i32
      %dma_wait3A_125 = arith.constant 0 : i32
      %dma_wait3A_126 = tpu.memref_slice %arg6[%dma_wait3A_122, %dma_wait3A_124, %dma_wait3A_125] : memref<8x128x16xf32, #tpu.memory_space<vmem>> -> memref<1x128x16xf32, #tpu.memory_space<vmem>>
      %dma_wait3A_127 = tpu.memref_squeeze %dma_wait3A_126 : memref<1x128x16xf32, #tpu.memory_space<vmem>> -> memref<128x16xf32, #tpu.memory_space<vmem>>
      %dma_wait3A_128 = arith.constant 0 : i32
      %dma_wait3A_129 = arith.constant 0 : i32
      %dma_wait3A_130 = tpu.memref_slice %arg4[%dma_wait3A_123, %dma_wait3A_128, %dma_wait3A_129] : memref<26x16384x16xf32, #tpu.memory_space<hbm>> -> memref<1x128x16xf32, #tpu.memory_space<hbm>>
      %dma_wait3A_131 = tpu.memref_squeeze %dma_wait3A_130 : memref<1x128x16xf32, #tpu.memory_space<hbm>> -> memref<128x16xf32, #tpu.memory_space<hbm>>
      %dma_wait3A_132 = arith.constant 0 : i32
      %dma_wait3A_133 = arith.constant 0 : i32
      %dma_wait3A_134 = tpu.memref_slice %arg4[%dma_wait3A_123, %dma_wait3A_132, %dma_wait3A_133] : memref<26x16384x16xf32, #tpu.memory_space<hbm>> -> memref<1x128x16xf32, #tpu.memory_space<hbm>>
      %dma_wait3A_135 = tpu.memref_squeeze %dma_wait3A_134 : memref<1x128x16xf32, #tpu.memory_space<hbm>> -> memref<128x16xf32, #tpu.memory_space<hbm>>
      %dma_wait3A_136 = arith.constant 0 : i32
      %dma_wait3A_137 = arith.constant 0 : i32
      %dma_wait3A_138 = tpu.memref_slice %arg6[%dma_wait3A_122, %dma_wait3A_136, %dma_wait3A_137] : memref<8x128x16xf32, #tpu.memory_space<vmem>> -> memref<1x128x16xf32, #tpu.memory_space<vmem>>
      %dma_wait3A_139 = tpu.memref_squeeze %dma_wait3A_138 : memref<1x128x16xf32, #tpu.memory_space<vmem>> -> memref<128x16xf32, #tpu.memory_space<vmem>>
      tpu.wait_dma2 semaphore(%arg9 : memref<!tpu.dma_semaphore, #tpu.memory_space<semaphore_mem>>) src(%dma_wait3A_139 : memref<128x16xf32, #tpu.memory_space<vmem>>) dst(%dma_wait3A_135 : memref<128x16xf32, #tpu.memory_space<hbm>>)
      %dma_wait3A_140 = arith.constant 0 : i32
      %dma_wait3A_141 = arith.constant 0 : i32
      %dma_wait3A_142 = arith.constant 0 : i32
      %dma_wait3A_143 = arith.constant 0 : i32
      %dma_wait3A_144 = tpu.memref_slice %arg6[%dma_wait3A_140, %dma_wait3A_142, %dma_wait3A_143] : memref<8x128x16xf32, #tpu.memory_space<vmem>> -> memref<1x128x16xf32, #tpu.memory_space<vmem>>
      %dma_wait3A_145 = tpu.memref_squeeze %dma_wait3A_144 : memref<1x128x16xf32, #tpu.memory_space<vmem>> -> memref<128x16xf32, #tpu.memory_space<vmem>>
      %dma_wait3A_146 = arith.constant 0 : i32
      %dma_wait3A_147 = arith.constant 0 : i32
      %dma_wait3A_148 = tpu.memref_slice %arg4[%dma_wait3A_141, %dma_wait3A_146, %dma_wait3A_147] : memref<26x16384x16xf32, #tpu.memory_space<hbm>> -> memref<1x128x16xf32, #tpu.memory_space<hbm>>
      %dma_wait3A_149 = tpu.memref_squeeze %dma_wait3A_148 : memref<1x128x16xf32, #tpu.memory_space<hbm>> -> memref<128x16xf32, #tpu.memory_space<hbm>>
      %dma_wait3A_150 = arith.constant 0 : i32
      %dma_wait3A_151 = arith.constant 0 : i32
      %dma_wait3A_152 = tpu.memref_slice %arg4[%dma_wait3A_141, %dma_wait3A_150, %dma_wait3A_151] : memref<26x16384x16xf32, #tpu.memory_space<hbm>> -> memref<1x128x16xf32, #tpu.memory_space<hbm>>
      %dma_wait3A_153 = tpu.memref_squeeze %dma_wait3A_152 : memref<1x128x16xf32, #tpu.memory_space<hbm>> -> memref<128x16xf32, #tpu.memory_space<hbm>>
      %dma_wait3A_154 = arith.constant 0 : i32
      %dma_wait3A_155 = arith.constant 0 : i32
      %dma_wait3A_156 = tpu.memref_slice %arg6[%dma_wait3A_140, %dma_wait3A_154, %dma_wait3A_155] : memref<8x128x16xf32, #tpu.memory_space<vmem>> -> memref<1x128x16xf32, #tpu.memory_space<vmem>>
      %dma_wait3A_157 = tpu.memref_squeeze %dma_wait3A_156 : memref<1x128x16xf32, #tpu.memory_space<vmem>> -> memref<128x16xf32, #tpu.memory_space<vmem>>
      tpu.wait_dma2 semaphore(%arg9 : memref<!tpu.dma_semaphore, #tpu.memory_space<semaphore_mem>>) src(%dma_wait3A_157 : memref<128x16xf32, #tpu.memory_space<vmem>>) dst(%dma_wait3A_153 : memref<128x16xf32, #tpu.memory_space<hbm>>)
      %dma_wait3A_158 = arith.constant 0 : i32
      %dma_wait3A_159 = arith.constant 0 : i32
      %dma_wait3A_160 = arith.constant 0 : i32
      %dma_wait3A_161 = arith.constant 0 : i32
      %dma_wait3A_162 = tpu.memref_slice %arg6[%dma_wait3A_158, %dma_wait3A_160, %dma_wait3A_161] : memref<8x128x16xf32, #tpu.memory_space<vmem>> -> memref<1x128x16xf32, #tpu.memory_space<vmem>>
      %dma_wait3A_163 = tpu.memref_squeeze %dma_wait3A_162 : memref<1x128x16xf32, #tpu.memory_space<vmem>> -> memref<128x16xf32, #tpu.memory_space<vmem>>
      %dma_wait3A_164 = arith.constant 0 : i32
      %dma_wait3A_165 = arith.constant 0 : i32
      %dma_wait3A_166 = tpu.memref_slice %arg4[%dma_wait3A_159, %dma_wait3A_164, %dma_wait3A_165] : memref<26x16384x16xf32, #tpu.memory_space<hbm>> -> memref<1x128x16xf32, #tpu.memory_space<hbm>>
      %dma_wait3A_167 = tpu.memref_squeeze %dma_wait3A_166 : memref<1x128x16xf32, #tpu.memory_space<hbm>> -> memref<128x16xf32, #tpu.memory_space<hbm>>
      %dma_wait3A_168 = arith.constant 0 : i32
      %dma_wait3A_169 = arith.constant 0 : i32
      %dma_wait3A_170 = tpu.memref_slice %arg4[%dma_wait3A_159, %dma_wait3A_168, %dma_wait3A_169] : memref<26x16384x16xf32, #tpu.memory_space<hbm>> -> memref<1x128x16xf32, #tpu.memory_space<hbm>>
      %dma_wait3A_171 = tpu.memref_squeeze %dma_wait3A_170 : memref<1x128x16xf32, #tpu.memory_space<hbm>> -> memref<128x16xf32, #tpu.memory_space<hbm>>
      %dma_wait3A_172 = arith.constant 0 : i32
      %dma_wait3A_173 = arith.constant 0 : i32
      %dma_wait3A_174 = tpu.memref_slice %arg6[%dma_wait3A_158, %dma_wait3A_172, %dma_wait3A_173] : memref<8x128x16xf32, #tpu.memory_space<vmem>> -> memref<1x128x16xf32, #tpu.memory_space<vmem>>
      %dma_wait3A_175 = tpu.memref_squeeze %dma_wait3A_174 : memref<1x128x16xf32, #tpu.memory_space<vmem>> -> memref<128x16xf32, #tpu.memory_space<vmem>>
      tpu.wait_dma2 semaphore(%arg9 : memref<!tpu.dma_semaphore, #tpu.memory_space<semaphore_mem>>) src(%dma_wait3A_175 : memref<128x16xf32, #tpu.memory_space<vmem>>) dst(%dma_wait3A_171 : memref<128x16xf32, #tpu.memory_space<hbm>>)
      %dma_wait3A_176 = arith.constant 0 : i32
      %dma_wait3A_177 = arith.constant 0 : i32
      %dma_wait3A_178 = arith.constant 0 : i32
      %dma_wait3A_179 = arith.constant 0 : i32
      %dma_wait3A_180 = tpu.memref_slice %arg6[%dma_wait3A_176, %dma_wait3A_178, %dma_wait3A_179] : memref<8x128x16xf32, #tpu.memory_space<vmem>> -> memref<1x128x16xf32, #tpu.memory_space<vmem>>
      %dma_wait3A_181 = tpu.memref_squeeze %dma_wait3A_180 : memref<1x128x16xf32, #tpu.memory_space<vmem>> -> memref<128x16xf32, #tpu.memory_space<vmem>>
      %dma_wait3A_182 = arith.constant 0 : i32
      %dma_wait3A_183 = arith.constant 0 : i32
      %dma_wait3A_184 = tpu.memref_slice %arg4[%dma_wait3A_177, %dma_wait3A_182, %dma_wait3A_183] : memref<26x16384x16xf32, #tpu.memory_space<hbm>> -> memref<1x128x16xf32, #tpu.memory_space<hbm>>
      %dma_wait3A_185 = tpu.memref_squeeze %dma_wait3A_184 : memref<1x128x16xf32, #tpu.memory_space<hbm>> -> memref<128x16xf32, #tpu.memory_space<hbm>>
      %dma_wait3A_186 = arith.constant 0 : i32
      %dma_wait3A_187 = arith.constant 0 : i32
      %dma_wait3A_188 = tpu.memref_slice %arg4[%dma_wait3A_177, %dma_wait3A_186, %dma_wait3A_187] : memref<26x16384x16xf32, #tpu.memory_space<hbm>> -> memref<1x128x16xf32, #tpu.memory_space<hbm>>
      %dma_wait3A_189 = tpu.memref_squeeze %dma_wait3A_188 : memref<1x128x16xf32, #tpu.memory_space<hbm>> -> memref<128x16xf32, #tpu.memory_space<hbm>>
      %dma_wait3A_190 = arith.constant 0 : i32
      %dma_wait3A_191 = arith.constant 0 : i32
      %dma_wait3A_192 = tpu.memref_slice %arg6[%dma_wait3A_176, %dma_wait3A_190, %dma_wait3A_191] : memref<8x128x16xf32, #tpu.memory_space<vmem>> -> memref<1x128x16xf32, #tpu.memory_space<vmem>>
      %dma_wait3A_193 = tpu.memref_squeeze %dma_wait3A_192 : memref<1x128x16xf32, #tpu.memory_space<vmem>> -> memref<128x16xf32, #tpu.memory_space<vmem>>
      tpu.wait_dma2 semaphore(%arg9 : memref<!tpu.dma_semaphore, #tpu.memory_space<semaphore_mem>>) src(%dma_wait3A_193 : memref<128x16xf32, #tpu.memory_space<vmem>>) dst(%dma_wait3A_189 : memref<128x16xf32, #tpu.memory_space<hbm>>)
      %dma_wait3A_194 = arith.constant 0 : i32
      %dma_wait3A_195 = arith.constant 0 : i32
      %dma_wait3A_196 = arith.constant 0 : i32
      %dma_wait3A_197 = arith.constant 0 : i32
      %dma_wait3A_198 = tpu.memref_slice %arg6[%dma_wait3A_194, %dma_wait3A_196, %dma_wait3A_197] : memref<8x128x16xf32, #tpu.memory_space<vmem>> -> memref<1x128x16xf32, #tpu.memory_space<vmem>>
      %dma_wait3A_199 = tpu.memref_squeeze %dma_wait3A_198 : memref<1x128x16xf32, #tpu.memory_space<vmem>> -> memref<128x16xf32, #tpu.memory_space<vmem>>
      %dma_wait3A_200 = arith.constant 0 : i32
      %dma_wait3A_201 = arith.constant 0 : i32
      %dma_wait3A_202 = tpu.memref_slice %arg4[%dma_wait3A_195, %dma_wait3A_200, %dma_wait3A_201] : memref<26x16384x16xf32, #tpu.memory_space<hbm>> -> memref<1x128x16xf32, #tpu.memory_space<hbm>>
      %dma_wait3A_203 = tpu.memref_squeeze %dma_wait3A_202 : memref<1x128x16xf32, #tpu.memory_space<hbm>> -> memref<128x16xf32, #tpu.memory_space<hbm>>
      %dma_wait3A_204 = arith.constant 0 : i32
      %dma_wait3A_205 = arith.constant 0 : i32
      %dma_wait3A_206 = tpu.memref_slice %arg4[%dma_wait3A_195, %dma_wait3A_204, %dma_wait3A_205] : memref<26x16384x16xf32, #tpu.memory_space<hbm>> -> memref<1x128x16xf32, #tpu.memory_space<hbm>>
      %dma_wait3A_207 = tpu.memref_squeeze %dma_wait3A_206 : memref<1x128x16xf32, #tpu.memory_space<hbm>> -> memref<128x16xf32, #tpu.memory_space<hbm>>
      %dma_wait3A_208 = arith.constant 0 : i32
      %dma_wait3A_209 = arith.constant 0 : i32
      %dma_wait3A_210 = tpu.memref_slice %arg6[%dma_wait3A_194, %dma_wait3A_208, %dma_wait3A_209] : memref<8x128x16xf32, #tpu.memory_space<vmem>> -> memref<1x128x16xf32, #tpu.memory_space<vmem>>
      %dma_wait3A_211 = tpu.memref_squeeze %dma_wait3A_210 : memref<1x128x16xf32, #tpu.memory_space<vmem>> -> memref<128x16xf32, #tpu.memory_space<vmem>>
      tpu.wait_dma2 semaphore(%arg9 : memref<!tpu.dma_semaphore, #tpu.memory_space<semaphore_mem>>) src(%dma_wait3A_211 : memref<128x16xf32, #tpu.memory_space<vmem>>) dst(%dma_wait3A_207 : memref<128x16xf32, #tpu.memory_space<hbm>>)
      %dma_wait3A_212 = arith.constant 0 : i32
      %dma_wait3A_213 = arith.constant 0 : i32
      %dma_wait3A_214 = arith.constant 0 : i32
      %dma_wait3A_215 = arith.constant 0 : i32
      %dma_wait3A_216 = tpu.memref_slice %arg6[%dma_wait3A_212, %dma_wait3A_214, %dma_wait3A_215] : memref<8x128x16xf32, #tpu.memory_space<vmem>> -> memref<1x128x16xf32, #tpu.memory_space<vmem>>
      %dma_wait3A_217 = tpu.memref_squeeze %dma_wait3A_216 : memref<1x128x16xf32, #tpu.memory_space<vmem>> -> memref<128x16xf32, #tpu.memory_space<vmem>>
      %dma_wait3A_218 = arith.constant 0 : i32
      %dma_wait3A_219 = arith.constant 0 : i32
      %dma_wait3A_220 = tpu.memref_slice %arg4[%dma_wait3A_213, %dma_wait3A_218, %dma_wait3A_219] : memref<26x16384x16xf32, #tpu.memory_space<hbm>> -> memref<1x128x16xf32, #tpu.memory_space<hbm>>
      %dma_wait3A_221 = tpu.memref_squeeze %dma_wait3A_220 : memref<1x128x16xf32, #tpu.memory_space<hbm>> -> memref<128x16xf32, #tpu.memory_space<hbm>>
      %dma_wait3A_222 = arith.constant 0 : i32
      %dma_wait3A_223 = arith.constant 0 : i32
      %dma_wait3A_224 = tpu.memref_slice %arg4[%dma_wait3A_213, %dma_wait3A_222, %dma_wait3A_223] : memref<26x16384x16xf32, #tpu.memory_space<hbm>> -> memref<1x128x16xf32, #tpu.memory_space<hbm>>
      %dma_wait3A_225 = tpu.memref_squeeze %dma_wait3A_224 : memref<1x128x16xf32, #tpu.memory_space<hbm>> -> memref<128x16xf32, #tpu.memory_space<hbm>>
      %dma_wait3A_226 = arith.constant 0 : i32
      %dma_wait3A_227 = arith.constant 0 : i32
      %dma_wait3A_228 = tpu.memref_slice %arg6[%dma_wait3A_212, %dma_wait3A_226, %dma_wait3A_227] : memref<8x128x16xf32, #tpu.memory_space<vmem>> -> memref<1x128x16xf32, #tpu.memory_space<vmem>>
      %dma_wait3A_229 = tpu.memref_squeeze %dma_wait3A_228 : memref<1x128x16xf32, #tpu.memory_space<vmem>> -> memref<128x16xf32, #tpu.memory_space<vmem>>
      tpu.wait_dma2 semaphore(%arg9 : memref<!tpu.dma_semaphore, #tpu.memory_space<semaphore_mem>>) src(%dma_wait3A_229 : memref<128x16xf32, #tpu.memory_space<vmem>>) dst(%dma_wait3A_225 : memref<128x16xf32, #tpu.memory_space<hbm>>)
    } else {
    }
    return
  }
}

</mosaic_0001>

<sc_bundles>
// kernel: kernel.3.cloned.1.call-start
scs
__scs_entry_jumppad:
0x0: {  	(pc) =	sbr.rel $0x88, $3  }
0x1: {  	(tag) =	ssettag $0x0;
	lr =	simm.s32 $0x1  }
0x2: {  	[smem:$0x3F9F] =	sst lr;
	_ =	strace $0xD0000000  }
0x3: {  	_ = 	snop  }
0x4: {  	_ = 	snop  }
0x5: {  	_ = 	snop  }
0x6: {  	_ = 	snop  }
0x7: {  	_ = 	snop  }
__scs_overlays_trampoline_lowered:
0x8: {  	[smem:$0x3FAE] =	sst s0  }
0x9: {  	[smem:$0x3FAF] =	sst s1  }
0xa: {  	[smem:$0x3FB0] =	sst s2  }
0xb: {  	[smem:$0x3FB1] =	sst s3  }
0xc: {  	[smem:$0x3FB2] =	sst s4  }
0xd: {  	[smem:$0x3FB3] =	sst s5  }
0xe: {  	[smem:$0x3FB4] =	sst s6  }
0xf: {  	[smem:$0x3FB5] =	sst s7  }
0x10: {  	[smem:$0x3FB6] =	sst s8  }
0x11: {  	[smem:$0x3FB7] =	sst s9;
	s0 =	simm.s32 @!p0 $0x0  }
0x12: {  	s1 =	sld [smem:$0x3F9D];
	s0 =	simm.s32 @p0 $0x1  }
0x13: {  	[smem:$0x3FB8] =	sst s0;
	s0 =	simm.s32 @!p1 $0x0  }
0x14: {  	s2 =	sld [smem:$0x3F9C];
	s0 =	simm.s32 @p1 $0x1  }
0x15: {  	[smem:$0x3FB9] =	sst s0;
	s0 =	simm.s32 @!p2 $0x0  }
0x16: {  	s3 =	sld [smem:$0x3FDB];
	s0 =	simm.s32 @p2 $0x1  }
0x17: {  	s4 =	simm.s32 $0x1BF5;
	[smem:$0x3FBB] =	sst s0  }
0x18: {  	s0 =	sld [smem:$0x3F9E];
	_ =	swait.ge [sflag:s4], $0x0  }
0x19: {  	s7 =	sld [smem:$0x3F9F]  }
0x1a: {  	s8 =	sadd.s32 $0xFFFFE003, lr  }
0x1b: {  	s9 =	sadd.s32 $0xFFFFFEF7, lr;
	s5 =	simm.s32 $0xFFFFFFFF;
	p2 =	slt.u32 s8, $0xFFFFF086  }
0x1c: {  	p1 =	slt.u32 s9, $0xF7A;
	s5 =	simm.s32 @!p2 $0x0  }
0x1d: {  	s5 =	simm.s32 @p1 $0x1;
	p0 =	seq.s32 s7, s2  }
0x1e: {  	s7 =	smul.u32 @!p0 $0xF7A, s2;
	p2 =	seq.s32 @!p0 s5, $0x0  }
0x1f: {  	s9 =	smul.u32 $0xF7A, s1;
	s8 =	simm.s32 @!p0 $0x1BF5;
	p2 =	por !p2, p0  }
0x20: {  	[sflag:s8] =	ssyncset.s32 @!p0 $0xFFFFF086;
	s6 =	sadd.s32 @!p0 s3, s7;
	s7 =	simm.s32 @!p0 $0x108  }
0x21: {  	s3 =	sadd.s32 s3, s9;
	s6 =	sadd.s32 @!p0 $0x88, s6;
	s7 =	simm.s32 @p2 $0x1082  }
0x22: {  	[simem:s7], [sflag:s8] =	dma.local @!p0 [hbm:s6], $0xF7A  }
0x23: {  	s9 =	sor.u32 $0xD0000000, s2;
	s6 =	simm.s32 $0x108;
	_ =	swait.ge @!p0 [sflag:s8], $0x0  }
0x24: {  	s3 =	sadd.s32 $0x88, s3;
	s6 =	simm.s32 @!p1 $0x1082;
	[sflag:s4] =	ssyncset.s32 $0xFFFFF086  }
0x25: {  	[simem:s6], [sflag:s4] =	dma.local [hbm:s3], $0xF7A  }
0x26: {  	[smem:$0x3F9F] =	sst s1;
	(tag) =	ssettag s2;
	_ =	strace s9  }
0x27: {  	s1 =	sld [smem:$0x3FAF]  }
0x28: {  	s2 =	sld [smem:$0x3FB0]  }
0x29: {  	s4 =	sld [smem:$0x3FB2]  }
0x2a: {  	p0 =	seq.s32 s5, $0x0;
	s5 =	sld [smem:$0x3FB3]  }
0x2b: {  	s6 =	sld [smem:$0x3FB4]  }
0x2c: {  	s7 =	sld [smem:$0x3FB5]  }
0x2d: {  	s3 =	simm.s32 $0x108;
	s8 =	sld [smem:$0x3FB6]  }
0x2e: {  	s3 =	simm.s32 @!p0 $0x1082;
	s9 =	sld [smem:$0x3FB7]  }
0x2f: {  	lr =	sadd.s32 s0, s3;
	s0 =	sld [smem:$0x3FAE]  }
0x30: {  	s3 =	sld [smem:$0x3FB1]  }
0x31: {  	[smem:$0x3FBA] =	sst s10  }
0x32: {  	s10 =	sld [smem:$0x3FB8];
	_ =	sdelay $0x3  }
0x33: {  	p0 =	seq.s32 s10, $0x1;
	s10 =	sld [smem:$0x3FBA];
	_ =	sdelay $0x3  }
0x34: {  	[smem:$0x3FBA] =	sst s10  }
0x35: {  	s10 =	sld [smem:$0x3FB9];
	_ =	sdelay $0x3  }
0x36: {  	p1 =	seq.s32 s10, $0x1;
	s10 =	sld [smem:$0x3FBA];
	_ =	sdelay $0x3  }
0x37: {  	[smem:$0x3FBA] =	sst s10  }
0x38: {  	s10 =	sld [smem:$0x3FBB]  }
0x39: {  	_ = 	snop;
	(pc) =	sbr.ind lr, $3  }
0x3a: {  	_ = 	snop  }
0x3b: {  	_ = 	snop  }
0x3c: {  	p2 =	seq.s32 s10, $0x1;
	s10 =	sld [smem:$0x3FBA]  }
0x3d: {  	_ =	shalt  }
0x3e: {  	_ =	shalt  }
0x3f: {  	_ =	shalt  }
0x40: {  	_ =	shalt  }
0x41: {  	_ =	shalt  }
0x42: {  	_ =	shalt  }
0x43: {  	_ =	shalt  }
0x44: {  	_ =	shalt  }
0x45: {  	_ =	shalt  }
0x46: {  	_ =	shalt  }
0x47: {  	_ =	shalt  }
0x48: {  	_ =	shalt  }
0x49: {  	_ =	shalt  }
0x4a: {  	_ =	shalt  }
0x4b: {  	_ =	shalt  }
0x4c: {  	_ =	shalt  }
0x4d: {  	_ =	shalt  }
0x4e: {  	_ =	shalt  }
0x4f: {  	_ =	shalt  }
0x50: {  	_ =	shalt  }
0x51: {  	_ =	shalt  }
0x52: {  	_ =	shalt  }
0x53: {  	_ =	shalt  }
0x54: {  	_ =	shalt  }
0x55: {  	_ =	shalt  }
0x56: {  	_ =	shalt  }
0x57: {  	_ =	shalt  }
0x58: {  	_ =	shalt  }
0x59: {  	_ =	shalt  }
0x5a: {  	_ =	shalt  }
0x5b: {  	_ =	shalt  }
0x5c: {  	_ =	shalt  }
0x5d: {  	_ =	shalt  }
0x5e: {  	_ =	shalt  }
0x5f: {  	_ =	shalt  }
0x60: {  	_ =	shalt  }
0x61: {  	_ =	shalt  }
0x62: {  	_ =	shalt  }
0x63: {  	_ =	shalt  }
0x64: {  	_ =	shalt  }
0x65: {  	_ =	shalt  }
0x66: {  	_ =	shalt  }
0x67: {  	_ =	shalt  }
0x68: {  	_ =	shalt  }
0x69: {  	_ =	shalt  }
0x6a: {  	_ =	shalt  }
0x6b: {  	_ =	shalt  }
0x6c: {  	_ =	shalt  }
0x6d: {  	_ =	shalt  }
0x6e: {  	_ =	shalt  }
0x6f: {  	_ =	shalt  }
0x70: {  	_ =	shalt  }
0x71: {  	_ =	shalt  }
0x72: {  	_ =	shalt  }
0x73: {  	_ =	shalt  }
0x74: {  	_ =	shalt  }
0x75: {  	_ =	shalt  }
0x76: {  	_ =	shalt  }
0x77: {  	_ =	shalt  }
0x78: {  	_ =	shalt  }
0x79: {  	_ =	shalt  }
0x7a: {  	_ =	shalt  }
0x7b: {  	_ =	shalt  }
0x7c: {  	_ =	shalt  }
0x7d: {  	_ =	shalt  }
0x7e: {  	_ =	shalt  }
0x7f: {  	_ =	shalt  }
0x80: {  	_ =	shalt  }
0x81: {  	_ =	shalt  }
0x82: {  	_ =	shalt  }
0x83: {  	_ =	shalt  }
0x84: {  	_ =	shalt  }
0x85: {  	_ =	shalt  }
0x86: {  	_ =	shalt  }
0x87: {  	_ =	shalt  }
.Lfunc_end0:
.L_simem_size_0:
called_computation_lowered:
.L_overlay_start_0:
0x88: {  	s2 =	sld [smem:$0x3FD9]  }
0x89: {  	s3 =	sld [smem:$0x3FFE];
	_ =	sdelay $0x1  }
0x8a: {  	s1 =	srdreg.scid  }
0x8b: {  	s0 =	sand.u32 $0x1, s1  }
0x8c: {  	s17 =	sshll.u32 s0, $0xA;
	s2 =	sadd.s32 s3, s2  }
0x8d: {  	s2 =	sadd.s32 s2, s17  }
0x8e: {  	[smem:$0x3FC6] =	sst s2  }
0x8f: {  	_ = 	snop  }
0x90: {  	s2 =	sld [smem:$0x3FD0];
	(tm) =	ssettm $0x1  }
0x91: {  	s18 =	sld [smem:$0x3FFB];
	_ =	sdelay $0x3  }
0x92: {  	_ =	strace s18  }
0x93: {  	s3 =	sld [smem:$0x3FFC];
	_ =	sdelay $0x3  }
0x94: {  	_ =	strace s3  }
0x95: {  	s3 =	sld [smem:$0x3FFD];
	_ =	sdelay $0x3  }
0x96: {  	_ =	strace s3  }
0x97: {  	_ =	strace $0x8FFFFFFF  }
0x98: {  	s19 =	sld [smem:$0x3FDB];
	_ =	sdelay $0x1  }
0x99: {  	s4 =	simm.s32 $_scs_section_size  }
0x9a: {  	s5 =	simm.s32 $_size__tile_overlayer_lowered;
	s6 =	simm.s32 $_tile_overlayer_lowered  }
0x9b: {  	s22 =	simm.s32 $0x1BFF;
	s21 =	sshll.u32 s6, $0x1;
	s3 =	sadd.s32 s4, s19  }
0x9c: {  	s7 =	simm.s32 $0x0;
	s20 =	sshll.u32 s5, $0x1;
	s5 =	sadd.s32 s21, s3  }
0x9d: {  	[timem:s7], [sflag:s22] =	dma.local [hbm:s5], s20  }
0x9e: {  	_ =	swait.ge [sflag:s22], s20  }
0x9f: {  	s4 =	ssub.s32 $0x0, s20;
	[sflag:s22] =	ssyncset.done $0x0  }
0xa0: {  	[sflag:s22] =	ssyncadd.s32 s4;
	_ =	sdelay $0x1  }
0xa1: {  	s23 =	simm.s32 $0x1B8B  }
0xa2: {  	_ =	swait.ge [sflag:s23], $0x1  }
0xa3: {  	[sflag:s23] =	ssyncset.done $0x0  }
0xa4: {  	s25 =	simm.s32 $0x1B8E;
	s24 =	sld [smem:$0x3FFE];
	[sflag:s23] =	ssyncadd.s32 $0xFFFFFFFF  }
0xa5: {  	s26 =	simm.s32 $execute0_lowered;
	[smem:$0x3FD2] =	sst s25  }
0xa6: {  	s5 =	sshll.u32 s26, $0x1;
	_ =	strace $0x80000046;
	[dreg:$0x1] =	wrdreg $0xFFFFFFFF  }
0xa7: {  	s28 =	simm.s32 $_size_execute0_lowered;
	s3 =	sadd.s32 s3, s5;
	[dreg:$0x0] =	wrdreg $0x0  }
0xa8: {  	s5 =	sshll.u32 s28, $0x1;
	[dreg:$0x2] =	wrdreg s3  }
0xa9: {  	[dreg:$0x3] =	wrdreg s5  }
0xaa: {  	[dreg:$0x4] =	wrdreg $0xC0  }
0xab: {  	_ =	task [dreg:s7], $0x5FFFF  }
0xac: {  	[dreg:$0x1] =	wrdreg $0xFFFFFFFF  }
0xad: {  	[dreg:$0x0] =	wrdreg $0x60  }
0xae: {  	[dreg:$0x2] =	wrdreg s24  }
0xaf: {  	[dreg:$0x3] =	wrdreg s2  }
0xb0: {  	[dreg:$0x4] =	wrdreg $0x9  }
0xb1: {  	_ =	task.clear_ibuf [dreg:s7], $0x5FFFF;
	_ =	strace $0x90000046  }
0xb2: {  	s29 =	simm.s32 $0x9;
	_ =	strace $0x80000048  }
0xb3: {  	_ =	swait.ge [sflag:s29], $0x1  }
0xb4: {  	[sflag:s29] =	ssyncadd.s32 $0xFFFFFFFF  }
0xb5: {  	_ =	strace $0x90000048  }
0xb6: {  	_ =	sfence  }
0xb7: {  	s30 =	sld [smem:$0x0];
	_ =	sdelay $0x2  }
0xb8: {  	s31 =	sshll.u32 s1, $0xD;
	s1 =	sshrl.u32 s1, $0x2  }
0xb9: {  	s3 =	sand.u32 $0x4000, s31;
	s1 =	sadd.s32 s1, s30  }
0xba: {  	s0 =	sor.u32 s3, s0;
	s1 =	sshll.u32 s1, $0x11  }
0xbb: {  	s0 =	sor.u32 s1, s0  }
0xbc: {  	s0 =	sadd.s32 $0x8F2B, s0  }
0xbd: {  	[sflag:s0] =	ssyncadd.remote.s32 $0x1  }
0xbe: {  	_ =	sfence.sel $0xFFFF  }
0xbf: {  	[dreg:$0x0] =	wrdreg $0xFFFFFFFF;
	(pc) =	sbr.abs _section_cstart, $3  }
0xc0: {  	[dreg:$0x1] =	wrdreg $0xFFFFFFFF  }
0xc1: {  	_ =	task.clear_ibuf [dreg:s7], $0x2FFFF;
	_ =	strace $0x9FFFFFFF  }
0xc2: {  	(tm) =	ssettm $0x7FFFFFFF  }
0xc3: {  	_ =	shalt  }
tec
execute0_lowered:
.L_overlay_start_1:
0x0: {  	(tag) =	ssettag $0x1  }
0x1: {  	s3 =	stileid.u32  }
0x2: {  	p0 =	sgt.u32 s3, $0xC  }
.Ltmp0:
0x3: {  	_ = 	snop;
	(pc) =	sbr.rel @p0 .LBB2_6-.Ltmp0, $4  }
0x4: {  	_ = 	snop  }
0x5: {  	s1 =	rddreg [dreg:$0x0];
	s2 =	simm.s32 $0x0  }
0x6: {  	[smem:$0x7FF] =	sst s2  }
0x7: {  	s0 =	rddreg [dreg:$0x1];
	_ =	strace $0x80000047  }
0x8: {  	s4 =	sadd.s32 $0x600, s1;
	s5 =	srdreg.scid  }
0x9: {  	s3 =	sadd.s32 $0xF42A00, s1;
	s7 =	stileid.u32;
	s28 =	simm.s32 $0x5000  }
0xa: {  	s30 =	simm.s32 $0x5800;
	s31 =	simm.s32 $0x7000;
	s29 =	simm.s32 $0x7800  }
0xb: {  	s23 =	sand.u32 $0x1, s5;
	s24 =	sshll.u32 s7, $0x1;
	s7 =	sshll.u32 s7, $0x13  }
0xc: {  	s6 =	ssub.s32 $0x2, s23;
	s8 =	sshll.u32 s23, $0x12;
	s1 =	sor.u32 s23, s24  }
0xd: {  	s25 =	sshrl.u32 s6, $0x1;
	s7 =	sor.u32 s8, s7;
	s1 =	sshll.u32 s1, $0xB  }
0xe: {  	s5 =	ssub.s32 s6, s25;
	s26 =	sor.u32 $0x3800, s7;
	s1 =	sadd.s32 s4, s1  }
0xf: {  	s8 =	sor.u32 $0x3000, s7;
	s9 =	sor.u32 $0x2800, s7;
	s10 =	sor.u32 $0x2000, s7  }
0x10: {  	s13 =	sor.u32 $0x1800, s7;
	s14 =	sor.u32 $0x1000, s7;
	s15 =	sor.u32 $0x800, s7  }
0x11: {  	s18 =	sor.u32 $0x4000, s7;
	s19 =	sor.u32 $0x4800, s7;
	s20 =	sshrl.u32 s7, $0x3  }
0x12: {  	s21 =	sor.u32 $0x5000, s7;
	s22 =	sor.u32 $0x5800, s7;
	s23 =	sor.u32 $0x6000, s7  }
0x13: {  	s24 =	sor.u32 $0x6800, s7;
	s25 =	sor.u32 $0x7000, s7;
	[dreg:$0x3] =	wrdreg s1  }
0x14: {  	s5 =	smax.u32 s5, $0x1;
	s6 =	sshrl.u32 s26, $0x3;
	s4 =	sshrl.u32 s9, $0x3  }
0x15: {  	s12 =	sshrl.u32 s10, $0x3;
	s17 =	sshrl.u32 s15, $0x3;
	s26 =	sor.u32 $0x7800, s7  }
0x16: {  	s7 =	simm.s32 $0xA000;
	s9 =	simm.s32 $0xB000;
	s10 =	simm.s32 $0xB800  }
0x17: {  	[dreg:$0x4] =	wrdreg s5;
	s1 =	sadd.s32 s6, s0;
	s11 =	sadd.s32 s4, s0  }
0x18: {  	s4 =	sshrl.u32 s14, $0x3;
	s5 =	sadd.s32 s20, s0;
	[dreg:$0x5] =	wrdreg s1  }
0x19: {  	s6 =	simm.s32 $0x9800;
	s1 =	sshrl.u32 s8, $0x3;
	[dreg:$0x7] =	wrdreg s11  }
0x1a: {  	s16 =	sadd.s32 s4, s0;
	s4 =	sshrl.u32 s19, $0x3;
	[dreg:$0xc] =	wrdreg s5  }
0x1b: {  	s5 =	sshrl.u32 s23, $0x3;
	s23 =	simm.s32 $0x80;
	s8 =	simm.s32 $0xA800  }
0x1c: {  	s11 =	simm.s32 $0x2;
	s1 =	sadd.s32 s1, s0;
	[dreg:$0xa] =	wrdreg s16  }
0x1d: {  	s15 =	sadd.s32 s4, s0;
	[dreg:$0x6] =	wrdreg s1;
	s1 =	sadd.s32 s12, s0  }
0x1e: {  	s4 =	sshrl.u32 s22, $0x3;
	[dreg:$0x8] =	wrdreg s1;
	s1 =	sshrl.u32 s13, $0x3  }
0x1f: {  	s22 =	simm.s32 $0x9000;
	s13 =	simm.s32 $0x0;
	s1 =	sadd.s32 s1, s0  }
0x20: {  	[dreg:$0x9] =	wrdreg s1;
	s1 =	sadd.s32 s17, s0;
	s17 =	sadd.s32 s4, s0  }
0x21: {  	s4 =	sshrl.u32 s25, $0x3;
	s25 =	simm.s32 $0x4800;
	[dreg:$0xb] =	wrdreg s1  }
0x22: {  	s1 =	sshrl.u32 s18, $0x3;
	s18 =	sadd.s32 s5, s0;
	s5 =	sshrl.u32 s26, $0x3  }
.Ltmp1:
0x23: {  	s20 =	sadd.s32 s4, s0;
	s1 =	sadd.s32 s1, s0;
	(pc) =	sbr.rel .LBB2_2-.Ltmp1, $4  }
0x24: {  	s26 =	simm.s32 $0x6800;
	s4 =	simm.s32 $0x8000;
	[dreg:$0xd] =	wrdreg s1  }
0x25: {  	s1 =	sshrl.u32 s21, $0x3;
	s21 =	sadd.s32 s5, s0;
	s5 =	simm.s32 $0x8800  }
0x26: {  	s16 =	sadd.s32 s1, s0;
	s1 =	sshrl.u32 s24, $0x3;
	s24 =	simm.s32 $0x4000  }
0x27: {  	s19 =	sadd.s32 s1, s0;
	s0 =	simm.s32 $0x6000;
	s1 =	simm.s32 $0x1  }
.LBB2_5:
0x28: {  	_ =	swait.ge [sflag:s11], $0x800  }
0x29: {  	[sflag:s11] =	ssyncset.done $0x0  }
0x2a: {  	[sflag:s11] =	ssyncadd.s32 $0xFFFFF800  }
0x2b: {  	_ =	swait.ge [sflag:s11], $0x800  }
0x2c: {  	[sflag:s11] =	ssyncset.done $0x0  }
0x2d: {  	[sflag:s11] =	ssyncadd.s32 $0xFFFFF800  }
0x2e: {  	_ =	swait.ge [sflag:s11], $0x800  }
0x2f: {  	[sflag:s11] =	ssyncset.done $0x0  }
0x30: {  	[sflag:s11] =	ssyncadd.s32 $0xFFFFF800  }
0x31: {  	_ =	swait.ge [sflag:s11], $0x800  }
0x32: {  	[sflag:s11] =	ssyncset.done $0x0  }
0x33: {  	[sflag:s11] =	ssyncadd.s32 $0xFFFFF800  }
0x34: {  	_ =	swait.ge [sflag:s11], $0x800  }
0x35: {  	[sflag:s11] =	ssyncset.done $0x0  }
0x36: {  	[sflag:s11] =	ssyncadd.s32 $0xFFFFF800  }
0x37: {  	_ =	swait.ge [sflag:s11], $0x800  }
0x38: {  	[sflag:s11] =	ssyncset.done $0x0  }
0x39: {  	[sflag:s11] =	ssyncadd.s32 $0xFFFFF800  }
0x3a: {  	_ =	swait.ge [sflag:s11], $0x800  }
0x3b: {  	[sflag:s11] =	ssyncset.done $0x0  }
0x3c: {  	[sflag:s11] =	ssyncadd.s32 $0xFFFFF800  }
0x3d: {  	_ =	swait.ge [sflag:s11], $0x800  }
0x3e: {  	s13 =	rddreg [dreg:$0xe]  }
0x3f: {  	s12 =	rddreg [dreg:$0x4];
	s13 =	sadd.s32 $0x1, s13  }
0x40: {  	p0 =	sne.s32 s13, s12  }
.Ltmp2:
0x41: {  	_ = 	snop;
	(pc) =	sbr.rel @!p0 .LBB2_6-.Ltmp2, $3  }
0x42: {  	_ =	sdelay $0x1  }
0x43: {  	[sflag:s11] =	ssyncset.done $0x0  }
0x44: {  	[sflag:s11] =	ssyncadd.s32 $0xFFFFF800  }
.LBB2_2:
0x45: {  	s12 =	simm.s32 $0x0;
	s14 =	rddreg [dreg:$0x3]  }
0x46: {  	[tilespmem:s12], [sflag:$0x3] =	stream.linear.gather [hbm4b:s14+s12], $0x4000, $0x38;
	[tilespmem:$0xC000] =	vst v63  }
0x47: {  	[dreg:$0xe] =	wrdreg s13;
	s14 =	simm.s32 $0x3  }
0x48: {  	_ =	swait.ge [sflag:s14], $0x4000  }
0x49: {  	[sflag:s14] =	ssyncset.done $0x0  }
0x4a: {  	[sflag:s14] =	ssyncadd.s32 $0xFFFFC000  }
0x4b: {  	[tilespmem:s24], [sflag:$0x1] =	stream.indirect.gather [hbm4b:s3+s23], $0x10, s12, s23, $0xb8;
	[tilespmem:$0xC000] =	vst v63  }
0x4c: {  	_ = 	snop  }
0x4d: {  	[tilespmem:s25], [sflag:$0x1] =	stream.indirect.gather [hbm4b:s3+s23], $0x10, s23, s23, $0xb8;
	[tilespmem:$0xC000] =	vst v63  }
0x4e: {  	s14 =	simm.s32 $0x100  }
0x4f: {  	[tilespmem:s28], [sflag:$0x1] =	stream.indirect.gather [hbm4b:s3+s23], $0x10, s14, s23, $0xb8;
	[tilespmem:$0xC000] =	vst v63  }
0x50: {  	s14 =	simm.s32 $0x180  }
0x51: {  	[tilespmem:s30], [sflag:$0x1] =	stream.indirect.gather [hbm4b:s3+s23], $0x10, s14, s23, $0xb8;
	[tilespmem:$0xC000] =	vst v63  }
0x52: {  	s14 =	simm.s32 $0x200  }
0x53: {  	[tilespmem:s0], [sflag:$0x1] =	stream.indirect.gather [hbm4b:s3+s23], $0x10, s14, s23, $0xb8;
	[tilespmem:$0xC000] =	vst v63  }
0x54: {  	s14 =	simm.s32 $0x280  }
0x55: {  	[tilespmem:s26], [sflag:$0x1] =	stream.indirect.gather [hbm4b:s3+s23], $0x10, s14, s23, $0xb8;
	[tilespmem:$0xC000] =	vst v63  }
0x56: {  	s14 =	simm.s32 $0x300  }
0x57: {  	[tilespmem:s31], [sflag:$0x1] =	stream.indirect.gather [hbm4b:s3+s23], $0x10, s14, s23, $0xb8;
	[tilespmem:$0xC000] =	vst v63  }
0x58: {  	s13 =	simm.s32 $0xB80;
	s14 =	simm.s32 $0x380  }
0x59: {  	[tilespmem:s29], [sflag:$0x1] =	stream.indirect.gather [hbm4b:s3+s23], $0x10, s14, s23, $0xb8;
	[tilespmem:$0xC000] =	vst v63  }
.LBB2_3:
0x5a: {  	_ =	swait.ge [sflag:s1], $0x800  }
0x5b: {  	[sflag:s1] =	ssyncset.done $0x0  }
0x5c: {  	[sflag:s1] =	ssyncadd.s32 $0xFFFFF800  }
0x5d: {  	_ =	swait.ge [sflag:s1], $0x800  }
0x5e: {  	[sflag:s1] =	ssyncset.done $0x0  }
0x5f: {  	[sflag:s1] =	ssyncadd.s32 $0xFFFFF800  }
0x60: {  	_ =	swait.ge [sflag:s1], $0x800  }
0x61: {  	[sflag:s1] =	ssyncset.done $0x0  }
0x62: {  	[sflag:s1] =	ssyncadd.s32 $0xFFFFF800  }
0x63: {  	_ =	swait.ge [sflag:s1], $0x800  }
0x64: {  	[sflag:s1] =	ssyncset.done $0x0  }
0x65: {  	[sflag:s1] =	ssyncadd.s32 $0xFFFFF800  }
0x66: {  	_ =	swait.ge [sflag:s1], $0x800  }
0x67: {  	[sflag:s1] =	ssyncset.done $0x0  }
0x68: {  	[sflag:s1] =	ssyncadd.s32 $0xFFFFF800  }
0x69: {  	_ =	swait.ge [sflag:s1], $0x800  }
0x6a: {  	[sflag:s1] =	ssyncset.done $0x0  }
0x6b: {  	[sflag:s1] =	ssyncadd.s32 $0xFFFFF800  }
0x6c: {  	_ =	swait.ge [sflag:s1], $0x800  }
0x6d: {  	[sflag:s1] =	ssyncset.done $0x0  }
0x6e: {  	[sflag:s1] =	ssyncadd.s32 $0xFFFFF800  }
0x6f: {  	_ =	swait.ge [sflag:s1], $0x800  }
0x70: {  	[sflag:s1] =	ssyncset.done $0x0;
	s14 =	rddreg [dreg:$0xc]  }
0x71: {  	[sflag:s1] =	ssyncadd.s32 $0xFFFFF800;
	s14 =	sadd.s32 s12, s14  }
0x72: {  	[hbm4b:s14+s2] =	stream.linear.scatter [tilespmem:s24], [sflag:$0x2], $0x800, $0x38;
	[tilespmem:$0xC000] =	vst v63  }
0x73: {  	s14 =	rddreg [dreg:$0xb]  }
0x74: {  	s14 =	sadd.s32 s12, s14  }
0x75: {  	[hbm4b:s14+s2] =	stream.linear.scatter [tilespmem:s25], [sflag:$0x2], $0x800, $0x38;
	[tilespmem:$0xC000] =	vst v63  }
0x76: {  	s14 =	rddreg [dreg:$0xa]  }
0x77: {  	s14 =	sadd.s32 s12, s14  }
0x78: {  	[hbm4b:s14+s2] =	stream.linear.scatter [tilespmem:s28], [sflag:$0x2], $0x800, $0x38;
	[tilespmem:$0xC000] =	vst v63  }
0x79: {  	s14 =	rddreg [dreg:$0x9]  }
0x7a: {  	s14 =	sadd.s32 s12, s14  }
0x7b: {  	[hbm4b:s14+s2] =	stream.linear.scatter [tilespmem:s30], [sflag:$0x2], $0x800, $0x38;
	[tilespmem:$0xC000] =	vst v63  }
0x7c: {  	s14 =	rddreg [dreg:$0x8]  }
0x7d: {  	s14 =	sadd.s32 s12, s14  }
0x7e: {  	[hbm4b:s14+s2] =	stream.linear.scatter [tilespmem:s0], [sflag:$0x2], $0x800, $0x38;
	[tilespmem:$0xC000] =	vst v63  }
0x7f: {  	s14 =	rddreg [dreg:$0x7]  }
0x80: {  	s14 =	sadd.s32 s12, s14  }
0x81: {  	[hbm4b:s14+s2] =	stream.linear.scatter [tilespmem:s26], [sflag:$0x2], $0x800, $0x38;
	[tilespmem:$0xC000] =	vst v63  }
0x82: {  	s14 =	rddreg [dreg:$0x6]  }
0x83: {  	s14 =	sadd.s32 s12, s14  }
0x84: {  	[hbm4b:s14+s2] =	stream.linear.scatter [tilespmem:s31], [sflag:$0x2], $0x800, $0x38;
	[tilespmem:$0xC000] =	vst v63  }
0x85: {  	s14 =	rddreg [dreg:$0x5]  }
0x86: {  	p0 =	seq.s32 s12, $0x0;
	s14 =	sadd.s32 s12, s14  }
0x87: {  	[hbm4b:s14+s2] =	stream.linear.scatter [tilespmem:s29], [sflag:$0x2], $0x800, $0x38;
	[tilespmem:$0xC000] =	vst v63  }
0x88: {  	s14 =	simm.s32 @!p0 $0x2  }
0x89: {  	_ =	swait.ge @!p0 [sflag:s14], $0x800  }
0x8a: {  	[sflag:s14] =	ssyncset.done @!p0 $0x0  }
0x8b: {  	[sflag:s14] =	ssyncadd.s32 @!p0 $0xFFFFF800  }
0x8c: {  	_ =	swait.ge @!p0 [sflag:s14], $0x800  }
0x8d: {  	[sflag:s14] =	ssyncset.done @!p0 $0x0  }
0x8e: {  	[sflag:s14] =	ssyncadd.s32 @!p0 $0xFFFFF800  }
0x8f: {  	_ =	swait.ge @!p0 [sflag:s14], $0x800  }
0x90: {  	[sflag:s14] =	ssyncset.done @!p0 $0x0  }
0x91: {  	[sflag:s14] =	ssyncadd.s32 @!p0 $0xFFFFF800  }
0x92: {  	_ =	swait.ge @!p0 [sflag:s14], $0x800  }
0x93: {  	[sflag:s14] =	ssyncset.done @!p0 $0x0  }
0x94: {  	[sflag:s14] =	ssyncadd.s32 @!p0 $0xFFFFF800  }
0x95: {  	_ =	swait.ge @!p0 [sflag:s14], $0x800  }
0x96: {  	[sflag:s14] =	ssyncset.done @!p0 $0x0  }
0x97: {  	[sflag:s14] =	ssyncadd.s32 @!p0 $0xFFFFF800  }
0x98: {  	_ =	swait.ge @!p0 [sflag:s14], $0x800  }
0x99: {  	[sflag:s14] =	ssyncset.done @!p0 $0x0  }
0x9a: {  	[sflag:s14] =	ssyncadd.s32 @!p0 $0xFFFFF800  }
0x9b: {  	_ =	swait.ge @!p0 [sflag:s14], $0x800  }
0x9c: {  	[sflag:s14] =	ssyncset.done @!p0 $0x0  }
0x9d: {  	[sflag:s14] =	ssyncadd.s32 @!p0 $0xFFFFF800  }
0x9e: {  	_ =	swait.ge @!p0 [sflag:s14], $0x800  }
0x9f: {  	[sflag:s14] =	ssyncset.done @!p0 $0x0  }
0xa0: {  	[sflag:s14] =	ssyncadd.s32 @!p0 $0xFFFFF800;
	s14 =	sadd.s32 $0xFFFFF880, s13  }
0xa1: {  	[tilespmem:s4], [sflag:$0x1] =	stream.indirect.gather [hbm4b:s3+s23], $0x10, s14, s23, $0xb8;
	[tilespmem:$0xC000] =	vst v63  }
0xa2: {  	s14 =	sadd.s32 $0xFFFFF900, s13  }
0xa3: {  	[tilespmem:s5], [sflag:$0x1] =	stream.indirect.gather [hbm4b:s3+s23], $0x10, s14, s23, $0xb8;
	[tilespmem:$0xC000] =	vst v63  }
0xa4: {  	s14 =	sadd.s32 $0xFFFFF980, s13  }
0xa5: {  	[tilespmem:s22], [sflag:$0x1] =	stream.indirect.gather [hbm4b:s3+s23], $0x10, s14, s23, $0xb8;
	[tilespmem:$0xC000] =	vst v63  }
0xa6: {  	s14 =	sadd.s32 $0xFFFFFA00, s13  }
0xa7: {  	[tilespmem:s6], [sflag:$0x1] =	stream.indirect.gather [hbm4b:s3+s23], $0x10, s14, s23, $0xb8;
	[tilespmem:$0xC000] =	vst v63  }
0xa8: {  	s14 =	sadd.s32 $0xFFFFFA80, s13  }
0xa9: {  	[tilespmem:s7], [sflag:$0x1] =	stream.indirect.gather [hbm4b:s3+s23], $0x10, s14, s23, $0xb8;
	[tilespmem:$0xC000] =	vst v63  }
0xaa: {  	s14 =	sadd.s32 $0xFFFFFB00, s13  }
0xab: {  	[tilespmem:s8], [sflag:$0x1] =	stream.indirect.gather [hbm4b:s3+s23], $0x10, s14, s23, $0xb8;
	[tilespmem:$0xC000] =	vst v63  }
0xac: {  	s14 =	sadd.s32 $0xFFFFFB80, s13  }
0xad: {  	[tilespmem:s9], [sflag:$0x1] =	stream.indirect.gather [hbm4b:s3+s23], $0x10, s14, s23, $0xb8;
	[tilespmem:$0xC000] =	vst v63  }
0xae: {  	s14 =	sadd.s32 $0xFFFFFC00, s13  }
0xaf: {  	[tilespmem:s10], [sflag:$0x1] =	stream.indirect.gather [hbm4b:s3+s23], $0x10, s14, s23, $0xb8;
	[tilespmem:$0xC000] =	vst v63  }
0xb0: {  	_ =	swait.ge [sflag:s1], $0x800  }
0xb1: {  	[sflag:s1] =	ssyncset.done $0x0  }
0xb2: {  	[sflag:s1] =	ssyncadd.s32 $0xFFFFF800  }
0xb3: {  	_ =	swait.ge [sflag:s1], $0x800  }
0xb4: {  	[sflag:s1] =	ssyncset.done $0x0  }
0xb5: {  	[sflag:s1] =	ssyncadd.s32 $0xFFFFF800  }
0xb6: {  	_ =	swait.ge [sflag:s1], $0x800  }
0xb7: {  	[sflag:s1] =	ssyncset.done $0x0  }
0xb8: {  	[sflag:s1] =	ssyncadd.s32 $0xFFFFF800  }
0xb9: {  	_ =	swait.ge [sflag:s1], $0x800  }
0xba: {  	[sflag:s1] =	ssyncset.done $0x0  }
0xbb: {  	[sflag:s1] =	ssyncadd.s32 $0xFFFFF800  }
0xbc: {  	_ =	swait.ge [sflag:s1], $0x800  }
0xbd: {  	[sflag:s1] =	ssyncset.done $0x0  }
0xbe: {  	[sflag:s1] =	ssyncadd.s32 $0xFFFFF800  }
0xbf: {  	_ =	swait.ge [sflag:s1], $0x800  }
0xc0: {  	[sflag:s1] =	ssyncset.done $0x0  }
0xc1: {  	[sflag:s1] =	ssyncadd.s32 $0xFFFFF800  }
0xc2: {  	_ =	swait.ge [sflag:s1], $0x800  }
0xc3: {  	[sflag:s1] =	ssyncset.done $0x0  }
0xc4: {  	[sflag:s1] =	ssyncadd.s32 $0xFFFFF800  }
0xc5: {  	_ =	swait.ge [sflag:s1], $0x800  }
0xc6: {  	[sflag:s1] =	ssyncset.done $0x0;
	s14 =	rddreg [dreg:$0xd]  }
0xc7: {  	[sflag:s1] =	ssyncadd.s32 $0xFFFFF800;
	s14 =	sadd.s32 s12, s14  }
0xc8: {  	[hbm4b:s14+s2] =	stream.linear.scatter [tilespmem:s4], [sflag:$0x2], $0x800, $0x38;
	[tilespmem:$0xC000] =	vst v63  }
0xc9: {  	s14 =	sadd.s32 s12, s15  }
0xca: {  	[hbm4b:s14+s2] =	stream.linear.scatter [tilespmem:s5], [sflag:$0x2], $0x800, $0x38;
	[tilespmem:$0xC000] =	vst v63  }
0xcb: {  	s14 =	sadd.s32 s12, s16  }
0xcc: {  	[hbm4b:s14+s2] =	stream.linear.scatter [tilespmem:s22], [sflag:$0x2], $0x800, $0x38;
	[tilespmem:$0xC000] =	vst v63  }
0xcd: {  	s14 =	sadd.s32 s12, s17  }
0xce: {  	[hbm4b:s14+s2] =	stream.linear.scatter [tilespmem:s6], [sflag:$0x2], $0x800, $0x38;
	[tilespmem:$0xC000] =	vst v63  }
0xcf: {  	s14 =	sadd.s32 s12, s18  }
0xd0: {  	[hbm4b:s14+s2] =	stream.linear.scatter [tilespmem:s7], [sflag:$0x2], $0x800, $0x38;
	[tilespmem:$0xC000] =	vst v63  }
0xd1: {  	s14 =	sadd.s32 s12, s19  }
0xd2: {  	[hbm4b:s14+s2] =	stream.linear.scatter [tilespmem:s8], [sflag:$0x2], $0x800, $0x38;
	[tilespmem:$0xC000] =	vst v63  }
0xd3: {  	s14 =	sadd.s32 s12, s20  }
0xd4: {  	[hbm4b:s14+s2] =	stream.linear.scatter [tilespmem:s9], [sflag:$0x2], $0x800, $0x38;
	[tilespmem:$0xC000] =	vst v63  }
0xd5: {  	s14 =	sadd.s32 s12, s21  }
0xd6: {  	[hbm4b:s14+s2] =	stream.linear.scatter [tilespmem:s10], [sflag:$0x2], $0x800, $0x38;
	[tilespmem:$0xC000] =	vst v63  }
0xd7: {  	_ =	swait.ge [sflag:s11], $0x800  }
0xd8: {  	[sflag:s11] =	ssyncset.done $0x0  }
0xd9: {  	[sflag:s11] =	ssyncadd.s32 $0xFFFFF800  }
0xda: {  	_ =	swait.ge [sflag:s11], $0x800  }
0xdb: {  	[sflag:s11] =	ssyncset.done $0x0  }
0xdc: {  	[sflag:s11] =	ssyncadd.s32 $0xFFFFF800  }
0xdd: {  	_ =	swait.ge [sflag:s11], $0x800  }
0xde: {  	[sflag:s11] =	ssyncset.done $0x0  }
0xdf: {  	[sflag:s11] =	ssyncadd.s32 $0xFFFFF800  }
0xe0: {  	_ =	swait.ge [sflag:s11], $0x800  }
0xe1: {  	[sflag:s11] =	ssyncset.done $0x0  }
0xe2: {  	[sflag:s11] =	ssyncadd.s32 $0xFFFFF800  }
0xe3: {  	_ =	swait.ge [sflag:s11], $0x800  }
0xe4: {  	[sflag:s11] =	ssyncset.done $0x0  }
0xe5: {  	[sflag:s11] =	ssyncadd.s32 $0xFFFFF800  }
0xe6: {  	_ =	swait.ge [sflag:s11], $0x800  }
0xe7: {  	[sflag:s11] =	ssyncset.done $0x0  }
0xe8: {  	[sflag:s11] =	ssyncadd.s32 $0xFFFFF800  }
0xe9: {  	p0 =	seq.s32 s12, $0x7000;
	_ =	swait.ge [sflag:s11], $0x800  }
.Ltmp3:
0xea: {  	[sflag:s11] =	ssyncset.done $0x0;
	(pc) =	sbr.rel @p0 .LBB2_5-.Ltmp3, $4  }
0xeb: {  	[sflag:s11] =	ssyncadd.s32 $0xFFFFF800  }
0xec: {  	_ =	swait.ge [sflag:s11], $0x800  }
0xed: {  	[sflag:s11] =	ssyncset.done $0x0  }
0xee: {  	[sflag:s11] =	ssyncadd.s32 $0xFFFFF800  }
0xef: {  	s14 =	sadd.s32 $0xFFFFFC80, s13  }
0xf0: {  	[tilespmem:s24], [sflag:$0x1] =	stream.indirect.gather [hbm4b:s3+s23], $0x10, s14, s23, $0xb8;
	[tilespmem:$0xC000] =	vst v63  }
0xf1: {  	s14 =	sadd.s32 $0xFFFFFD00, s13  }
0xf2: {  	[tilespmem:s25], [sflag:$0x1] =	stream.indirect.gather [hbm4b:s3+s23], $0x10, s14, s23, $0xb8;
	[tilespmem:$0xC000] =	vst v63  }
0xf3: {  	s14 =	sadd.s32 $0xFFFFFD80, s13  }
0xf4: {  	[tilespmem:s28], [sflag:$0x1] =	stream.indirect.gather [hbm4b:s3+s23], $0x10, s14, s23, $0xb8;
	[tilespmem:$0xC000] =	vst v63  }
0xf5: {  	s14 =	sadd.s32 $0xFFFFFE00, s13  }
0xf6: {  	[tilespmem:s30], [sflag:$0x1] =	stream.indirect.gather [hbm4b:s3+s23], $0x10, s14, s23, $0xb8;
	[tilespmem:$0xC000] =	vst v63  }
0xf7: {  	s14 =	sadd.s32 $0xFFFFFE80, s13  }
0xf8: {  	[tilespmem:s0], [sflag:$0x1] =	stream.indirect.gather [hbm4b:s3+s23], $0x10, s14, s23, $0xb8;
	[tilespmem:$0xC000] =	vst v63  }
0xf9: {  	s14 =	sadd.s32 $0xFFFFFF00, s13  }
0xfa: {  	[tilespmem:s26], [sflag:$0x1] =	stream.indirect.gather [hbm4b:s3+s23], $0x10, s14, s23, $0xb8;
	[tilespmem:$0xC000] =	vst v63  }
.Ltmp4:
0xfb: {  	s14 =	sadd.s32 $0xFFFFFF80, s13;
	(pc) =	sbr.rel .LBB2_3-.Ltmp4, $4  }
0xfc: {  	[tilespmem:s31], [sflag:$0x1] =	stream.indirect.gather [hbm4b:s3+s23], $0x10, s14, s23, $0xb8;
	[tilespmem:$0xC000] =	vst v63  }
0xfd: {  	_ = 	snop  }
0xfe: {  	[tilespmem:s29], [sflag:$0x1] =	stream.indirect.gather [hbm4b:s3+s23], $0x10, s13, s23, $0xb8;
	[tilespmem:$0xC000] =	vst v63  }
0xff: {  	s12 =	sadd.s32 $0x1000, s12;
	s13 =	sadd.s32 $0x800, s13  }
.LBB2_6:
0x100: {  	_ =	sfence.sel $0x180000  }
0x101: {  	[bflag:$0x0] =	sbarrier.arrive $0xFFFF  }
0x102: {  	_ =	strace $0x90000047  }
0x103: {  	s0 =	stileid.u32;
	[bflag:$0x2] =	sbarrier.arrive $0xFFFF  }
0x104: {  	p0 =	sne.s32 s0, $0x0;
	s0 =	rddreg [dreg:$0x2]  }
0x105: {  	s0 =	sadd.s32 @!p0 $0x100000, s0  }
0x106: {  	[sflag:s0] =	ssyncadd.tile.s32 @!p0 $0x1;
	_ =	shalt  }
.Lfunc_end2:
_tile_overlayer_lowered:
.L_overlay_start_2:
0x107: {  	(tag) =	ssettag $0x2  }
0x108: {  	s0 =	rddreg [dreg:$0x0];
	s2 =	stileid.u32  }
0x109: {  	s1 =	rddreg [dreg:$0x1];
	p0 =	sne.s32 s2, $0x0  }
0x10a: {  	s3 =	rddreg [dreg:$0x2];
	[bflag:$0x3] =	sbarrier.arrive $0xFFFF;
	s2 =	simm.s32 @!p0 $0x1C03  }
0x10b: {  	[timem:s3], [sflag:s2] =	dma.local @!p0 [hbm:s0], s1  }
0x10c: {  	s0 =	simm.s32 @!p0 $0x3  }
0x10d: {  	_ =	swait.ge @!p0 [sflag:s0], s1  }
0x10e: {  	s1 =	ssub.s32 @!p0 $0x0, s1;
	[sflag:s0] =	ssyncset.done @!p0 $0x0  }
0x10f: {  	[sflag:s0] =	ssyncadd.s32 @!p0 s1  }
0x110: {  	[bflag:$0x3] =	sbarrier.arrive $0xFFFF  }
0x111: {  	_ =	shalt  }

</sc_bundles>
